<compile_context>
chip_gen: v7x
topology: tpu7x:2x2x1
jax: 0.10.2.dev20260603
libtpu: 0.0.44.dev20260713+nightly
codegen_flags: <defaults>
</compile_context>

<pallas_src>
import jax
import jax.numpy as jnp
import numpy as np
from jax import lax
from jax.experimental import pallas as pl
from jax.experimental.pallas import tpu as pltpu

_B = 2
_NP = 512
_C = 256
_NC = 81
_ROI = 7
_SR = 2
_SCALE = 1.0 / 32.0
_FH = 50
_FW = 50
_ST = 0.05
_NMS_T = 0.5
_DETS = 100
_NEG = -1e4
_CLIP = float(np.log(1000.0 / 16.0))
_FEAT = _C * _ROI * _ROI
_R = 32
_KT = 896


def _fiota(shape, dim):
    return lax.broadcasted_iota(jnp.int32, shape, dim).astype(jnp.float32)


def _interp_mat(lo, bsz, size):
    R = lo.shape[0]
    M = R * _ROI * _SR
    e_row = jnp.floor(_fiota((M, R), 0) / (_ROI * _SR))
    E = (e_row == _fiota((M, R), 1)).astype(jnp.float32)
    lob = jnp.dot(E, jnp.concatenate([lo, bsz], axis=1),
                  preferred_element_type=jnp.float32)
    lom = lob[:, 0:1]
    bszm = lob[:, 1:2]
    mi = _fiota((M, 1), 0)
    q = mi - jnp.floor(mi / (_ROI * _SR)) * (_ROI * _SR)
    i = jnp.floor(q / _SR)
    s = q - i * _SR
    pts = lom + i * bszm + (s + 0.5) * bszm / _SR
    valid = ((pts > -1.0) & (pts < size)).astype(jnp.float32)
    pc = jnp.clip(pts, 0.0, size - 1.0)
    p0 = jnp.floor(pc)
    lw = (pc - p0) * valid
    hw = (1.0 - (pc - p0)) * valid
    p1 = jnp.minimum(p0 + 1.0, size - 1.0)
    grid = _fiota((M, size), 1)
    w = jnp.where(grid == p0, hw, 0.0) + jnp.where(grid == p1, lw, 0.0)
    pair = (jnp.floor(_fiota((R * _ROI, M), 1) / _SR)
            == _fiota((R * _ROI, M), 0)).astype(jnp.float32)
    return 0.5 * jnp.dot(pair, w, preferred_element_type=jnp.float32)


def _roi_kernel(prop_ref, feat_ref, out_ref):
    pr = prop_ref[...]
    x1 = pr[:, 0:1] * _SCALE
    y1 = pr[:, 1:2] * _SCALE
    x2 = pr[:, 2:3] * _SCALE
    y2 = pr[:, 3:4] * _SCALE
    bw = jnp.maximum(x2 - x1, 1.0) / _ROI
    bh = jnp.maximum(y2 - y1, 1.0) / _ROI
    ry = _interp_mat(y1, bh, _FH)
    rx = _interp_mat(x1, bw, _FW)
    tmp = jnp.dot(ry, feat_ref[...], preferred_element_type=jnp.float32)
    t4 = tmp.reshape(_R, _ROI, _FW, _C)
    rx3 = rx.reshape(_R, _ROI, _FW)
    out = lax.dot_general(rx3, t4, (((2,), (2,)), ((0,), (0,))),
                          preferred_element_type=jnp.float32)
    out_ref[...] = out.reshape(_R, _FEAT)


def _fc1_kernel(x_ref, w_ref, b_ref, out_ref, acc_ref):
    k = pl.program_id(0)

    @pl.when(k == 0)
    def _init():
        acc_ref[...] = jnp.zeros_like(acc_ref)

    acc_ref[...] += jnp.dot(x_ref[...], w_ref[...],
                            preferred_element_type=jnp.float32)

    @pl.when(k == (_FEAT // _KT) - 1)
    def _fin():
        out_ref[...] = jnp.maximum(acc_ref[...] + b_ref[...], 0.0)


def _post_kernel(h1_ref, w2_ref, b2_ref, wc_ref, bc_ref, wb_ref, bb_ref,
                 prop_ref, img_ref, ob_ref, os_ref, ol_ref):
    h2 = jnp.maximum(
        jnp.dot(h1_ref[...], w2_ref[...], preferred_element_type=jnp.float32)
        + b2_ref[...], 0.0)
    logits = jnp.dot(h2, wc_ref[...], preferred_element_type=jnp.float32) + bc_ref[...]
    br = jnp.dot(h2, wb_ref[...], preferred_element_type=jnp.float32) + bb_ref[...]
    m = jnp.max(logits, axis=1, keepdims=True)
    e = jnp.exp(logits - m)
    p = e / jnp.sum(e, axis=1, keepdims=True)
    scores = p[:, 1:]
    dx = br[:, 1:81] / 10.0
    dy = br[:, 82:162] / 10.0
    dw = jnp.minimum(br[:, 163:243] / 5.0, _CLIP)
    dh = jnp.minimum(br[:, 244:324] / 5.0, _CLIP)
    prp = prop_ref[...]
    px1 = prp[:, 0:1]
    py1 = prp[:, 1:2]
    px2 = prp[:, 2:3]
    py2 = prp[:, 3:4]
    pw = px2 - px1
    ph = py2 - py1
    pcx = px1 + 0.5 * pw
    pcy = py1 + 0.5 * ph
    pcx2 = dx * pw + pcx
    pcy2 = dy * ph + pcy
    pw2 = jnp.exp(dw) * pw
    ph2 = jnp.exp(dh) * ph
    img = img_ref[...]
    hs = img[:, 0:1]
    ws = img[:, 1:2]
    x1 = jnp.clip(pcx2 - 0.5 * pw2, 0.0, ws)
    y1 = jnp.clip(pcy2 - 0.5 * ph2, 0.0, hs)
    x2 = jnp.clip(pcx2 + 0.5 * pw2, 0.0, ws)
    y2 = jnp.clip(pcy2 + 0.5 * ph2, 0.0, hs)
    s0 = jnp.where(scores > _ST, scores, _NEG)

    ci = _fiota((_NP, _NC - 1), 1)
    pi = _fiota((_NP, _NC - 1), 0)
    ki = pi * (_NC - 1) + ci
    lab = ci + 1.0
    off = lab * 2048.0
    xo1 = x1 + off
    yo1 = y1 + off
    xo2 = x2 + off
    yo2 = y2 + off
    areas = (xo2 - xo1) * (yo2 - yo1)

    ob_ref[...] = jnp.zeros((_DETS, 4), jnp.float32)
    os_ref[...] = jnp.zeros((_DETS, 1), jnp.float32)
    ol_ref[...] = jnp.zeros((_DETS, 1), jnp.int32)

    def cond(carry):
        t, _, m = carry
        return (t < _DETS) & (m > _ST)

    def body(carry):
        t, s, m = carry
        bk = jnp.min(jnp.where(s == m, ki, 1e9))
        mask = ki == bk

        def pick(v):
            return jnp.sum(jnp.where(mask, v, 0.0))

        bx1 = pick(x1)
        by1 = pick(y1)
        bx2 = pick(x2)
        by2 = pick(y2)
        bl = bk - jnp.floor(bk / (_NC - 1)) * (_NC - 1) + 1.0
        boff = bl * 2048.0
        bxo1 = bx1 + boff
        byo1 = by1 + boff
        bxo2 = bx2 + boff
        byo2 = by2 + boff
        xx1 = jnp.maximum(bxo1, xo1)
        yy1 = jnp.maximum(byo1, yo1)
        xx2 = jnp.minimum(bxo2, xo2)
        yy2 = jnp.minimum(byo2, yo2)
        inter = jnp.maximum(xx2 - xx1, 0.0) * jnp.maximum(yy2 - yy1, 0.0)
        ba = (bxo2 - bxo1) * (byo2 - byo1)
        iou = inter / (ba + areas - inter + 1e-9)
        s = jnp.where(iou > _NMS_T, _NEG, s)
        s = jnp.where(mask, _NEG, s)
        col = _fiota((1, 4), 1)
        row = jnp.where(col == 0.0, bx1,
                        jnp.where(col == 1.0, by1,
                                  jnp.where(col == 2.0, bx2, by2)))
        ob_ref[pl.ds(t, 1), :] = row
        os_ref[pl.ds(t, 1), :] = m * jnp.ones((1, 1), jnp.float32)
        ol_ref[pl.ds(t, 1), :] = bl.astype(jnp.int32) * jnp.ones((1, 1), jnp.int32)
        return t + 1, s, jnp.max(s)

    lax.while_loop(cond, body, (0, s0, jnp.max(s0)))


def kernel(features, proposals, image_shapes, W1, b1, W2, b2, Wc, bc, Wb, bb):
    feat_t = features.transpose(0, 2, 3, 1).reshape(_B, _FH, _FW * _C)

    pooled = pl.pallas_call(
        _roi_kernel,
        grid=(_B, _NP // _R),
        in_specs=[
            pl.BlockSpec((None, _R, 4), lambda b, c: (b, c, 0)),
            pl.BlockSpec((None, _FH, _FW * _C), lambda b, c: (b, 0, 0)),
        ],
        out_specs=pl.BlockSpec((None, _R, _FEAT), lambda b, c: (b, c, 0)),
        out_shape=jax.ShapeDtypeStruct((_B, _NP, _FEAT), jnp.float32),
    )(proposals, feat_t)
    x = pooled.reshape(_B * _NP, _FEAT)

    w1t = W1.reshape(1024, _C, _ROI, _ROI).transpose(3, 2, 1, 0).reshape(_FEAT, 1024)
    nk = _FEAT // _KT
    h1 = pl.pallas_call(
        _fc1_kernel,
        grid=(nk,),
        in_specs=[
            pl.BlockSpec((_B * _NP, _KT), lambda k: (0, k)),
            pl.BlockSpec((_KT, 1024), lambda k: (k, 0)),
            pl.BlockSpec((1, 1024), lambda k: (0, 0)),
        ],
        out_specs=pl.BlockSpec((_B * _NP, 1024), lambda k: (0, 0)),
        out_shape=jax.ShapeDtypeStruct((_B * _NP, 1024), jnp.float32),
        scratch_shapes=[pltpu.VMEM((_B * _NP, 1024), jnp.float32)],
    )(x, w1t, b1.reshape(1, 1024))

    w2t = W2.T
    wct = Wc.T
    wbt = Wb.reshape(_NC, 4, 1024).transpose(1, 0, 2).reshape(4 * _NC, 1024).T
    bbr = bb.reshape(_NC, 4).T.reshape(1, 4 * _NC)
    img_f = image_shapes.astype(jnp.float32).reshape(_B, 1, 2)

    ob, os_, ol = pl.pallas_call(
        _post_kernel,
        grid=(_B,),
        in_specs=[
            pl.BlockSpec((_NP, 1024), lambda b: (b, 0)),
            pl.BlockSpec((1024, 1024), lambda b: (0, 0)),
            pl.BlockSpec((1, 1024), lambda b: (0, 0)),
            pl.BlockSpec((1024, _NC), lambda b: (0, 0)),
            pl.BlockSpec((1, _NC), lambda b: (0, 0)),
            pl.BlockSpec((1024, 4 * _NC), lambda b: (0, 0)),
            pl.BlockSpec((1, 4 * _NC), lambda b: (0, 0)),
            pl.BlockSpec((None, _NP, 4), lambda b: (b, 0, 0)),
            pl.BlockSpec((None, 1, 2), lambda b: (b, 0, 0)),
        ],
        out_specs=[
            pl.BlockSpec((None, _DETS, 4), lambda b: (b, 0, 0)),
            pl.BlockSpec((None, _DETS, 1), lambda b: (b, 0, 0)),
            pl.BlockSpec((None, _DETS, 1), lambda b: (b, 0, 0)),
        ],
        out_shape=[
            jax.ShapeDtypeStruct((_B, _DETS, 4), jnp.float32),
            jax.ShapeDtypeStruct((_B, _DETS, 1), jnp.float32),
            jax.ShapeDtypeStruct((_B, _DETS, 1), jnp.int32),
        ],
    )(h1, w2t, b2.reshape(1, 1024), wct, bc.reshape(1, _NC), wbt, bbr,
      proposals, img_f)

    return ob, os_.reshape(_B, _DETS), ol.reshape(_B, _DETS)

# --- scband reference (transcript-rebuilt; emitter-appended) ---
"""Pipeline reference for scband-roiheads-73701638800034 (READ-ONLY COPY).

The authoritative reference and input builder live on the scoring server;
editing this copy changes nothing except your own understanding.
"""

import jax, jax.numpy as jnp
import numpy as np
from jax import lax

B = 2
N_PROP = 512
IN_CH = 256
NUM_CLASSES = 81
ROI = 7
SR = 2
SCALE = 1.0 / 32.0
FH = 50
FW = 50
SCORE_THRESH = 0.05
NMS_THRESH = 0.5
DETS = 100
NEG = -1e4
BBOX_CLIP = float(np.log(1000.0 / 16.0))


def setup_inputs(seed: int = 0):
    key = jax.random.key(seed)
    ks = jax.random.split(key, 10)
    features = jax.random.normal(ks[0], (B, IN_CH, FH, FW), dtype=jnp.float32)
    cx = jax.random.uniform(ks[1], (B, N_PROP)) * 1600.0
    cy = jax.random.uniform(ks[2], (B, N_PROP)) * 1600.0
    bw = 32.0 + jax.random.uniform(ks[3], (B, N_PROP)) * 480.0
    bh = 32.0 + jax.random.uniform(ks[4], (B, N_PROP)) * 480.0
    x1 = jnp.clip(cx - bw / 2, 0.0, 1598.0)
    y1 = jnp.clip(cy - bh / 2, 0.0, 1598.0)
    x2 = jnp.clip(cx + bw / 2, x1 + 1.0, 1600.0)
    y2 = jnp.clip(cy + bh / 2, y1 + 1.0, 1600.0)
    proposals = jnp.stack([x1, y1, x2, y2], axis=-1).astype(jnp.float32)
    image_shapes = jnp.array([[1600, 1600]] * B, dtype=jnp.int32)
    feat_dim = IN_CH * ROI * ROI
    s1 = 1.0 / np.sqrt(feat_dim)
    W1 = jax.random.uniform(ks[5], (1024, feat_dim), minval=-s1, maxval=s1, dtype=jnp.float32)
    b1 = jnp.zeros((1024,), jnp.float32)
    s2 = 1.0 / np.sqrt(1024.0)
    W2 = jax.random.uniform(ks[6], (1024, 1024), minval=-s2, maxval=s2, dtype=jnp.float32)
    b2 = jnp.zeros((1024,), jnp.float32)
    Wc = jax.random.normal(ks[7], (NUM_CLASSES, 1024), jnp.float32) * 0.01
    bc = jnp.zeros((NUM_CLASSES,), jnp.float32)
    Wb = jax.random.normal(ks[8], (NUM_CLASSES * 4, 1024), jnp.float32) * 0.001
    bb = jnp.zeros((NUM_CLASSES * 4,), jnp.float32)
    return {"features": features, "proposals": proposals, "image_shapes": image_shapes, "W1": W1, "b1": b1, "W2": W2, "b2": b2, "Wc": Wc, "bc": bc, "Wb": Wb, "bb": bb}


def _bilinear(feat, y, x):
    C, H, W = feat.shape
    valid = (y > -1.0) & (y < H) & (x > -1.0) & (x < W)
    y = jnp.clip(y, 0.0, H - 1.0)
    x = jnp.clip(x, 0.0, W - 1.0)
    y0 = jnp.floor(y)
    x0 = jnp.floor(x)
    y0i = y0.astype(jnp.int32)
    x0i = x0.astype(jnp.int32)
    y1i = jnp.minimum(y0i + 1, H - 1)
    x1i = jnp.minimum(x0i + 1, W - 1)
    ly = y - y0
    lx = x - x0
    hy = 1.0 - ly
    hx = 1.0 - lx
    v00 = feat[:, y0i, x0i]
    v01 = feat[:, y0i, x1i]
    v10 = feat[:, y1i, x0i]
    v11 = feat[:, y1i, x1i]
    out = v00 * hy * hx + v01 * hy * lx + v10 * ly * hx + v11 * ly * lx
    return out * valid.astype(feat.dtype)


def _roi_align_one(feat, roi):
    C = feat.shape[0]
    x1 = roi[0] * SCALE
    y1 = roi[1] * SCALE
    x2 = roi[2] * SCALE
    y2 = roi[3] * SCALE
    rw = jnp.maximum(x2 - x1, 1.0)
    rh = jnp.maximum(y2 - y1, 1.0)
    bw = rw / ROI
    bh = rh / ROI
    i = jnp.arange(ROI, dtype=jnp.float32)
    s = jnp.arange(SR, dtype=jnp.float32)
    ys = y1 + i[:, None] * bh + (s[None, :] + 0.5) * bh / SR
    xs = x1 + i[:, None] * bw + (s[None, :] + 0.5) * bw / SR
    py = jnp.broadcast_to(ys[:, :, None, None], (ROI, SR, ROI, SR)).reshape(-1)
    px = jnp.broadcast_to(xs[None, None, :, :], (ROI, SR, ROI, SR)).reshape(-1)
    vals = _bilinear(feat, py, px)
    return vals.reshape(C, ROI, SR, ROI, SR).mean(axis=(2, 4))


def _nms_image(boxes, scores, labels):
    off = labels.astype(jnp.float32) * 2048.0
    boxes_off = boxes + off[:, None]
    areas = (boxes_off[:, 2] - boxes_off[:, 0]) * (boxes_off[:, 3] - boxes_off[:, 1])

    def step(s, _):
        best = jnp.argmax(s)
        bs = s[best]
        bo = boxes_off[best]
        bb_ = boxes[best]
        bl = labels[best]
        xx1 = jnp.maximum(bo[0], boxes_off[:, 0])
        yy1 = jnp.maximum(bo[1], boxes_off[:, 1])
        xx2 = jnp.minimum(bo[2], boxes_off[:, 2])
        yy2 = jnp.minimum(bo[3], boxes_off[:, 3])
        inter = jnp.maximum(xx2 - xx1, 0.0) * jnp.maximum(yy2 - yy1, 0.0)
        ba = (bo[2] - bo[0]) * (bo[3] - bo[1])
        iou = inter / (ba + areas - inter + 1e-9)
        s2 = jnp.where(iou > NMS_THRESH, NEG, s)
        s2 = s2.at[best].set(NEG)
        return s2, (bb_, bs, bl)

    _, (kb, ks_, kl) = lax.scan(step, scores, None, length=DETS)
    valid = ks_ > SCORE_THRESH
    out_b = jnp.where(valid[:, None], kb, 0.0)
    out_s = jnp.where(valid, ks_, 0.0)
    out_l = jnp.where(valid, kl, 0)
    return out_b, out_s, out_l


def _forward(features, proposals, image_shapes, W1, b1, W2, b2, Wc, bc, Wb, bb):
    Bn, Np = proposals.shape[0], proposals.shape[1]
    roi_feats = jax.vmap(lambda f, p: jax.vmap(lambda r: _roi_align_one(f, r))(p))(features, proposals)
    x = roi_feats.reshape(Bn * Np, -1)
    x = jax.nn.relu(x @ W1.T + b1)
    x = jax.nn.relu(x @ W2.T + b2)
    cls_logits = x @ Wc.T + bc
    box_reg = x @ Wb.T + bb
    p = proposals.reshape(Bn * Np, 4)
    pw = p[:, 2] - p[:, 0]
    ph = p[:, 3] - p[:, 1]
    pcx = p[:, 0] + 0.5 * pw
    pcy = p[:, 1] + 0.5 * ph
    d = box_reg.reshape(Bn * Np, NUM_CLASSES, 4)
    dx = d[..., 0] / 10.0
    dy = d[..., 1] / 10.0
    dw = jnp.minimum(d[..., 2] / 5.0, BBOX_CLIP)
    dh = jnp.minimum(d[..., 3] / 5.0, BBOX_CLIP)
    pcx2 = dx * pw[:, None] + pcx[:, None]
    pcy2 = dy * ph[:, None] + pcy[:, None]
    pw2 = jnp.exp(dw) * pw[:, None]
    ph2 = jnp.exp(dh) * ph[:, None]
    boxes = jnp.stack([pcx2 - 0.5 * pw2, pcy2 - 0.5 * ph2, pcx2 + 0.5 * pw2, pcy2 + 0.5 * ph2], axis=-1)
    scores = jax.nn.softmax(cls_logits, axis=-1)
    boxes = boxes.reshape(Bn, Np, NUM_CLASSES, 4)
    scores = scores.reshape(Bn, Np, NUM_CLASSES)
    hs = image_shapes[:, 0].astype(jnp.float32)[:, None, None]
    ws = image_shapes[:, 1].astype(jnp.float32)[:, None, None]
    x1c = jnp.clip(boxes[..., 0], 0.0, ws)
    y1c = jnp.clip(boxes[..., 1], 0.0, hs)
    x2c = jnp.clip(boxes[..., 2], 0.0, ws)
    y2c = jnp.clip(boxes[..., 3], 0.0, hs)
    boxes = jnp.stack([x1c, y1c, x2c, y2c], axis=-1)
    boxes = boxes[:, :, 1:, :]
    scores = scores[:, :, 1:]
    labels = jnp.broadcast_to(jnp.arange(1, NUM_CLASSES, dtype=jnp.int32)[None, None, :], scores.shape)
    fb = boxes.reshape(Bn, -1, 4)
    fs = scores.reshape(Bn, -1)
    fl = labels.reshape(Bn, -1)
    fs = jnp.where(fs > SCORE_THRESH, fs, NEG)
    return jax.vmap(_nms_image)(fb, fs, fl)


def reference(features, proposals, image_shapes, W1, b1, W2, b2, Wc, bc, Wb, bb):
    return _forward(features, proposals, image_shapes, W1, b1, W2, b2, Wc, bc, Wb, bb)

if __name__ == "__main__":
    import jax
    _d = setup_inputs()
    print(jax.jit(kernel)(*tuple(_d.values())))

</pallas_src>

<mosaic_0001>
module attributes {stable_mosaic.version = 14 : i64} {
  func.func @_roi_kernel(%arg0: i32, %arg1: i32, %arg2: memref<1x32x4xf32, #tpu.memory_space<vmem>>, %arg3: memref<1x50x12800xf32, #tpu.memory_space<vmem>>, %arg4: memref<1x32x12544xf32, #tpu.memory_space<vmem>>) attributes {dimension_semantics = [#tpu.dimension_semantics<arbitrary>, #tpu.dimension_semantics<arbitrary>], iteration_bounds = array<i64: 2, 16>, scalar_prefetch = 0 : i64, scratch_operands = 0 : i64, tpu.core_type = #tpu.core_type<tc>, window_params = [{transform_indices = @transform_0, window_bounds = array<i64: 1, 32, 4>}, {transform_indices = @transform_1, window_bounds = array<i64: 1, 50, 12800>}, {transform_indices = @transform_2, window_bounds = array<i64: 1, 32, 12544>}]} {
    %get3A = arith.constant 0 : index
    %get3A_0 = arith.constant 0 : index
    %get3A_1 = arith.constant 0 : index
    %get3A_2 = vector.load %arg2[%get3A, %get3A_0, %get3A_1] : memref<1x32x4xf32, #tpu.memory_space<vmem>>, vector<1x32x4xf32>
    %get3A_3 = vector.shape_cast %get3A_2 : vector<1x32x4xf32> to vector<32x4xf32>
    %slice3A = vector.extract_strided_slice %get3A_3 {offsets = [0, 0], sizes = [32, 1], strides = [1, 1]} : vector<32x4xf32> to vector<32x1xf32>
    %mul3A = arith.constant 3.125000e-02 : f32
    %mul3A_4 = vector.broadcast %mul3A : f32 to vector<32x1xf32>
    %mul3A_5 = arith.mulf %slice3A, %mul3A_4 : vector<32x1xf32>
    %slice3A_6 = vector.extract_strided_slice %get3A_3 {offsets = [0, 1], sizes = [32, 1], strides = [1, 1]} : vector<32x4xf32> to vector<32x1xf32>
    %mul3A_7 = arith.constant 3.125000e-02 : f32
    %mul3A_8 = vector.broadcast %mul3A_7 : f32 to vector<32x1xf32>
    %mul3A_9 = arith.mulf %slice3A_6, %mul3A_8 : vector<32x1xf32>
    %slice3A_10 = vector.extract_strided_slice %get3A_3 {offsets = [0, 2], sizes = [32, 1], strides = [1, 1]} : vector<32x4xf32> to vector<32x1xf32>
    %mul3A_11 = arith.constant 3.125000e-02 : f32
    %mul3A_12 = vector.broadcast %mul3A_11 : f32 to vector<32x1xf32>
    %mul3A_13 = arith.mulf %slice3A_10, %mul3A_12 : vector<32x1xf32>
    %slice3A_14 = vector.extract_strided_slice %get3A_3 {offsets = [0, 3], sizes = [32, 1], strides = [1, 1]} : vector<32x4xf32> to vector<32x1xf32>
    %mul3A_15 = arith.constant 3.125000e-02 : f32
    %mul3A_16 = vector.broadcast %mul3A_15 : f32 to vector<32x1xf32>
    %mul3A_17 = arith.mulf %slice3A_14, %mul3A_16 : vector<32x1xf32>
    %sub3A = arith.subf %mul3A_13, %mul3A_5 : vector<32x1xf32>
    %max3A = arith.constant 1.000000e+00 : f32
    %max3A_18 = vector.broadcast %max3A : f32 to vector<32x1xf32>
    %max3A_19 = arith.maximumf %sub3A, %max3A_18 : vector<32x1xf32>
    %div3A = arith.constant 7.000000e+00 : f32
    %div3A_20 = vector.broadcast %div3A : f32 to vector<32x1xf32>
    %div3A_21 = arith.divf %max3A_19, %div3A_20 : vector<32x1xf32>
    %sub3A_22 = arith.subf %mul3A_17, %mul3A_9 : vector<32x1xf32>
    %max3A_23 = arith.constant 1.000000e+00 : f32
    %max3A_24 = vector.broadcast %max3A_23 : f32 to vector<32x1xf32>
    %max3A_25 = arith.maximumf %sub3A_22, %max3A_24 : vector<32x1xf32>
    %div3A_26 = arith.constant 7.000000e+00 : f32
    %div3A_27 = vector.broadcast %div3A_26 : f32 to vector<32x1xf32>
    %div3A_28 = arith.divf %max3A_25, %div3A_27 : vector<32x1xf32>
    %iota3A = tpu.iota {dimensions = array<i32: 0>} : vector<448x32xi32>
    %convert_element_type3A = arith.sitofp %iota3A : vector<448x32xi32> to vector<448x32xf32>
    %div3A_29 = arith.constant 1.400000e+01 : f32
    %div3A_30 = vector.broadcast %div3A_29 : f32 to vector<448x32xf32>
    %div3A_31 = arith.divf %convert_element_type3A, %div3A_30 : vector<448x32xf32>
    %floor3A = math.floor %div3A_31 : vector<448x32xf32>
    %iota3A_32 = tpu.iota {dimensions = array<i32: 1>} : vector<448x32xi32>
    %convert_element_type3A_33 = arith.sitofp %iota3A_32 : vector<448x32xi32> to vector<448x32xf32>
    %eq3A = arith.cmpf oeq, %floor3A, %convert_element_type3A_33 : vector<448x32xf32>
    %convert_element_type3A_34 = arith.extui %eq3A : vector<448x32xi1> to vector<448x32xi32>
    %convert_element_type3A_35 = arith.sitofp %convert_element_type3A_34 : vector<448x32xi32> to vector<448x32xf32>
    %concatenate3A = tpu.concatenate %mul3A_9, %div3A_28 in 1 : vector<32x1xf32>, vector<32x1xf32> -> vector<32x2xf32>
    %dot_general3A = arith.constant dense<0.000000e+00> : vector<448x2xf32>
    %dot_general3A_36 = tpu.matmul %convert_element_type3A_35, %concatenate3A, %dot_general3A {dimension_numbers = #tpu.dot_dimension_numbers<[1], [0], [0], [1], [0, 0, 1, 1], [], []>, transpose_lhs_hint = false} : vector<448x32xf32>, vector<32x2xf32>, vector<448x2xf32> -> vector<448x2xf32>
    %slice3A_37 = vector.extract_strided_slice %dot_general3A_36 {offsets = [0, 0], sizes = [448, 1], strides = [1, 1]} : vector<448x2xf32> to vector<448x1xf32>
    %slice3A_38 = vector.extract_strided_slice %dot_general3A_36 {offsets = [0, 1], sizes = [448, 1], strides = [1, 1]} : vector<448x2xf32> to vector<448x1xf32>
    %iota3A_39 = tpu.iota {dimensions = array<i32: 0>} : vector<448x1xi32>
    %convert_element_type3A_40 = arith.sitofp %iota3A_39 : vector<448x1xi32> to vector<448x1xf32>
    %div3A_41 = arith.constant 1.400000e+01 : f32
    %div3A_42 = vector.broadcast %div3A_41 : f32 to vector<448x1xf32>
    %div3A_43 = arith.divf %convert_element_type3A_40, %div3A_42 : vector<448x1xf32>
    %floor3A_44 = math.floor %div3A_43 : vector<448x1xf32>
    %mul3A_45 = arith.constant 1.400000e+01 : f32
    %mul3A_46 = vector.broadcast %mul3A_45 : f32 to vector<448x1xf32>
    %mul3A_47 = arith.mulf %floor3A_44, %mul3A_46 : vector<448x1xf32>
    %sub3A_48 = arith.subf %convert_element_type3A_40, %mul3A_47 : vector<448x1xf32>
    %div3A_49 = arith.constant 2.000000e+00 : f32
    %div3A_50 = vector.broadcast %div3A_49 : f32 to vector<448x1xf32>
    %div3A_51 = arith.divf %sub3A_48, %div3A_50 : vector<448x1xf32>
    %floor3A_52 = math.floor %div3A_51 : vector<448x1xf32>
    %mul3A_53 = arith.constant 2.000000e+00 : f32
    %mul3A_54 = vector.broadcast %mul3A_53 : f32 to vector<448x1xf32>
    %mul3A_55 = arith.mulf %floor3A_52, %mul3A_54 : vector<448x1xf32>
    %sub3A_56 = arith.subf %sub3A_48, %mul3A_55 : vector<448x1xf32>
    %mul3A_57 = arith.mulf %floor3A_52, %slice3A_38 : vector<448x1xf32>
    %add3A = arith.addf %slice3A_37, %mul3A_57 : vector<448x1xf32>
    %add3A_58 = arith.constant 5.000000e-01 : f32
    %add3A_59 = vector.broadcast %add3A_58 : f32 to vector<448x1xf32>
    %add3A_60 = arith.addf %sub3A_56, %add3A_59 : vector<448x1xf32>
    %mul3A_61 = arith.mulf %add3A_60, %slice3A_38 : vector<448x1xf32>
    %div3A_62 = arith.constant 2.000000e+00 : f32
    %div3A_63 = vector.broadcast %div3A_62 : f32 to vector<448x1xf32>
    %div3A_64 = arith.divf %mul3A_61, %div3A_63 : vector<448x1xf32>
    %add3A_65 = arith.addf %add3A, %div3A_64 : vector<448x1xf32>
    %gt3A = arith.constant -1.000000e+00 : f32
    %gt3A_66 = vector.broadcast %gt3A : f32 to vector<448x1xf32>
    %gt3A_67 = arith.cmpf ogt, %add3A_65, %gt3A_66 : vector<448x1xf32>
    %lt3A = arith.constant 5.000000e+01 : f32
    %lt3A_68 = vector.broadcast %lt3A : f32 to vector<448x1xf32>
    %lt3A_69 = arith.cmpf olt, %add3A_65, %lt3A_68 : vector<448x1xf32>
    %and3A = arith.andi %gt3A_67, %lt3A_69 : vector<448x1xi1>
    %convert_element_type3A_70 = arith.extui %and3A : vector<448x1xi1> to vector<448x1xi32>
    %convert_element_type3A_71 = arith.sitofp %convert_element_type3A_70 : vector<448x1xi32> to vector<448x1xf32>
    %jit3A = arith.constant 0.000000e+00 : f32
    %jit3A_72 = arith.constant 4.900000e+01 : f32
    %max3A_73 = vector.broadcast %jit3A : f32 to vector<448x1xf32>
    %max3A_74 = arith.maximumf %max3A_73, %add3A_65 : vector<448x1xf32>
    %min3A = vector.broadcast %jit3A_72 : f32 to vector<448x1xf32>
    %min3A_75 = arith.minimumf %min3A, %max3A_74 : vector<448x1xf32>
    %floor3A_76 = math.floor %min3A_75 : vector<448x1xf32>
    %sub3A_77 = arith.subf %min3A_75, %floor3A_76 : vector<448x1xf32>
    %mul3A_78 = arith.mulf %sub3A_77, %convert_element_type3A_71 : vector<448x1xf32>
    %sub3A_79 = arith.subf %min3A_75, %floor3A_76 : vector<448x1xf32>
    %sub3A_80 = arith.constant 1.000000e+00 : f32
    %sub3A_81 = vector.broadcast %sub3A_80 : f32 to vector<448x1xf32>
    %sub3A_82 = arith.subf %sub3A_81, %sub3A_79 : vector<448x1xf32>
    %mul3A_83 = arith.mulf %sub3A_82, %convert_element_type3A_71 : vector<448x1xf32>
    %add3A_84 = arith.constant 1.000000e+00 : f32
    %add3A_85 = vector.broadcast %add3A_84 : f32 to vector<448x1xf32>
    %add3A_86 = arith.addf %floor3A_76, %add3A_85 : vector<448x1xf32>
    %min3A_87 = arith.constant 4.900000e+01 : f32
    %min3A_88 = vector.broadcast %min3A_87 : f32 to vector<448x1xf32>
    %min3A_89 = arith.minimumf %add3A_86, %min3A_88 : vector<448x1xf32>
    %iota3A_90 = tpu.iota {dimensions = array<i32: 1>} : vector<448x50xi32>
    %convert_element_type3A_91 = arith.sitofp %iota3A_90 : vector<448x50xi32> to vector<448x50xf32>
    %eq3A_92 = vector.broadcast %floor3A_76 : vector<448x1xf32> to vector<448x50xf32>
    %eq3A_93 = arith.cmpf oeq, %convert_element_type3A_91, %eq3A_92 : vector<448x50xf32>
    %jit3A_94 = arith.constant 0.000000e+00 : f32
    %broadcast_in_dim3A = vector.shape_cast %mul3A_83 : vector<448x1xf32> to vector<448x1xf32>
    %broadcast_in_dim3A_95 = vector.broadcast %broadcast_in_dim3A : vector<448x1xf32> to vector<448x50xf32>
    %broadcast_in_dim3A_96 = vector.broadcast %jit3A_94 : f32 to vector<448x50xf32>
    %select_n3A = arith.select %eq3A_93, %broadcast_in_dim3A_95, %broadcast_in_dim3A_96 : vector<448x50xi1>, vector<448x50xf32>
    %eq3A_97 = vector.broadcast %min3A_89 : vector<448x1xf32> to vector<448x50xf32>
    %eq3A_98 = arith.cmpf oeq, %convert_element_type3A_91, %eq3A_97 : vector<448x50xf32>
    %jit3A_99 = arith.constant 0.000000e+00 : f32
    %broadcast_in_dim3A_100 = vector.shape_cast %mul3A_78 : vector<448x1xf32> to vector<448x1xf32>
    %broadcast_in_dim3A_101 = vector.broadcast %broadcast_in_dim3A_100 : vector<448x1xf32> to vector<448x50xf32>
    %broadcast_in_dim3A_102 = vector.broadcast %jit3A_99 : f32 to vector<448x50xf32>
    %select_n3A_103 = arith.select %eq3A_98, %broadcast_in_dim3A_101, %broadcast_in_dim3A_102 : vector<448x50xi1>, vector<448x50xf32>
    %add3A_104 = arith.addf %select_n3A, %select_n3A_103 : vector<448x50xf32>
    %iota3A_105 = tpu.iota {dimensions = array<i32: 1>} : vector<224x448xi32>
    %convert_element_type3A_106 = arith.sitofp %iota3A_105 : vector<224x448xi32> to vector<224x448xf32>
    %div3A_107 = arith.constant 2.000000e+00 : f32
    %div3A_108 = vector.broadcast %div3A_107 : f32 to vector<224x448xf32>
    %div3A_109 = arith.divf %convert_element_type3A_106, %div3A_108 : vector<224x448xf32>
    %floor3A_110 = math.floor %div3A_109 : vector<224x448xf32>
    %iota3A_111 = tpu.iota {dimensions = array<i32: 0>} : vector<224x448xi32>
    %convert_element_type3A_112 = arith.sitofp %iota3A_111 : vector<224x448xi32> to vector<224x448xf32>
    %eq3A_113 = arith.cmpf oeq, %floor3A_110, %convert_element_type3A_112 : vector<224x448xf32>
    %convert_element_type3A_114 = arith.extui %eq3A_113 : vector<224x448xi1> to vector<224x448xi32>
    %convert_element_type3A_115 = arith.sitofp %convert_element_type3A_114 : vector<224x448xi32> to vector<224x448xf32>
    %dot_general3A_116 = arith.constant dense<0.000000e+00> : vector<224x50xf32>
    %dot_general3A_117 = tpu.matmul %convert_element_type3A_115, %add3A_104, %dot_general3A_116 {dimension_numbers = #tpu.dot_dimension_numbers<[1], [0], [0], [1], [0, 0, 1, 1], [], []>, transpose_lhs_hint = false} : vector<224x448xf32>, vector<448x50xf32>, vector<224x50xf32> -> vector<224x50xf32>
    %mul3A_118 = arith.constant 5.000000e-01 : f32
    %mul3A_119 = vector.broadcast %mul3A_118 : f32 to vector<224x50xf32>
    %mul3A_120 = arith.mulf %mul3A_119, %dot_general3A_117 : vector<224x50xf32>
    %iota3A_121 = tpu.iota {dimensions = array<i32: 0>} : vector<448x32xi32>
    %convert_element_type3A_122 = arith.sitofp %iota3A_121 : vector<448x32xi32> to vector<448x32xf32>
    %div3A_123 = arith.constant 1.400000e+01 : f32
    %div3A_124 = vector.broadcast %div3A_123 : f32 to vector<448x32xf32>
    %div3A_125 = arith.divf %convert_element_type3A_122, %div3A_124 : vector<448x32xf32>
    %floor3A_126 = math.floor %div3A_125 : vector<448x32xf32>
    %iota3A_127 = tpu.iota {dimensions = array<i32: 1>} : vector<448x32xi32>
    %convert_element_type3A_128 = arith.sitofp %iota3A_127 : vector<448x32xi32> to vector<448x32xf32>
    %eq3A_129 = arith.cmpf oeq, %floor3A_126, %convert_element_type3A_128 : vector<448x32xf32>
    %convert_element_type3A_130 = arith.extui %eq3A_129 : vector<448x32xi1> to vector<448x32xi32>
    %convert_element_type3A_131 = arith.sitofp %convert_element_type3A_130 : vector<448x32xi32> to vector<448x32xf32>
    %concatenate3A_132 = tpu.concatenate %mul3A_5, %div3A_21 in 1 : vector<32x1xf32>, vector<32x1xf32> -> vector<32x2xf32>
    %dot_general3A_133 = arith.constant dense<0.000000e+00> : vector<448x2xf32>
    %dot_general3A_134 = tpu.matmul %convert_element_type3A_131, %concatenate3A_132, %dot_general3A_133 {dimension_numbers = #tpu.dot_dimension_numbers<[1], [0], [0], [1], [0, 0, 1, 1], [], []>, transpose_lhs_hint = false} : vector<448x32xf32>, vector<32x2xf32>, vector<448x2xf32> -> vector<448x2xf32>
    %slice3A_135 = vector.extract_strided_slice %dot_general3A_134 {offsets = [0, 0], sizes = [448, 1], strides = [1, 1]} : vector<448x2xf32> to vector<448x1xf32>
    %slice3A_136 = vector.extract_strided_slice %dot_general3A_134 {offsets = [0, 1], sizes = [448, 1], strides = [1, 1]} : vector<448x2xf32> to vector<448x1xf32>
    %iota3A_137 = tpu.iota {dimensions = array<i32: 0>} : vector<448x1xi32>
    %convert_element_type3A_138 = arith.sitofp %iota3A_137 : vector<448x1xi32> to vector<448x1xf32>
    %div3A_139 = arith.constant 1.400000e+01 : f32
    %div3A_140 = vector.broadcast %div3A_139 : f32 to vector<448x1xf32>
    %div3A_141 = arith.divf %convert_element_type3A_138, %div3A_140 : vector<448x1xf32>
    %floor3A_142 = math.floor %div3A_141 : vector<448x1xf32>
    %mul3A_143 = arith.constant 1.400000e+01 : f32
    %mul3A_144 = vector.broadcast %mul3A_143 : f32 to vector<448x1xf32>
    %mul3A_145 = arith.mulf %floor3A_142, %mul3A_144 : vector<448x1xf32>
    %sub3A_146 = arith.subf %convert_element_type3A_138, %mul3A_145 : vector<448x1xf32>
    %div3A_147 = arith.constant 2.000000e+00 : f32
    %div3A_148 = vector.broadcast %div3A_147 : f32 to vector<448x1xf32>
    %div3A_149 = arith.divf %sub3A_146, %div3A_148 : vector<448x1xf32>
    %floor3A_150 = math.floor %div3A_149 : vector<448x1xf32>
    %mul3A_151 = arith.constant 2.000000e+00 : f32
    %mul3A_152 = vector.broadcast %mul3A_151 : f32 to vector<448x1xf32>
    %mul3A_153 = arith.mulf %floor3A_150, %mul3A_152 : vector<448x1xf32>
    %sub3A_154 = arith.subf %sub3A_146, %mul3A_153 : vector<448x1xf32>
    %mul3A_155 = arith.mulf %floor3A_150, %slice3A_136 : vector<448x1xf32>
    %add3A_156 = arith.addf %slice3A_135, %mul3A_155 : vector<448x1xf32>
    %add3A_157 = arith.constant 5.000000e-01 : f32
    %add3A_158 = vector.broadcast %add3A_157 : f32 to vector<448x1xf32>
    %add3A_159 = arith.addf %sub3A_154, %add3A_158 : vector<448x1xf32>
    %mul3A_160 = arith.mulf %add3A_159, %slice3A_136 : vector<448x1xf32>
    %div3A_161 = arith.constant 2.000000e+00 : f32
    %div3A_162 = vector.broadcast %div3A_161 : f32 to vector<448x1xf32>
    %div3A_163 = arith.divf %mul3A_160, %div3A_162 : vector<448x1xf32>
    %add3A_164 = arith.addf %add3A_156, %div3A_163 : vector<448x1xf32>
    %gt3A_165 = arith.constant -1.000000e+00 : f32
    %gt3A_166 = vector.broadcast %gt3A_165 : f32 to vector<448x1xf32>
    %gt3A_167 = arith.cmpf ogt, %add3A_164, %gt3A_166 : vector<448x1xf32>
    %lt3A_168 = arith.constant 5.000000e+01 : f32
    %lt3A_169 = vector.broadcast %lt3A_168 : f32 to vector<448x1xf32>
    %lt3A_170 = arith.cmpf olt, %add3A_164, %lt3A_169 : vector<448x1xf32>
    %and3A_171 = arith.andi %gt3A_167, %lt3A_170 : vector<448x1xi1>
    %convert_element_type3A_172 = arith.extui %and3A_171 : vector<448x1xi1> to vector<448x1xi32>
    %convert_element_type3A_173 = arith.sitofp %convert_element_type3A_172 : vector<448x1xi32> to vector<448x1xf32>
    %jit3A_174 = arith.constant 0.000000e+00 : f32
    %jit3A_175 = arith.constant 4.900000e+01 : f32
    %max3A_176 = vector.broadcast %jit3A_174 : f32 to vector<448x1xf32>
    %max3A_177 = arith.maximumf %max3A_176, %add3A_164 : vector<448x1xf32>
    %min3A_178 = vector.broadcast %jit3A_175 : f32 to vector<448x1xf32>
    %min3A_179 = arith.minimumf %min3A_178, %max3A_177 : vector<448x1xf32>
    %floor3A_180 = math.floor %min3A_179 : vector<448x1xf32>
    %sub3A_181 = arith.subf %min3A_179, %floor3A_180 : vector<448x1xf32>
    %mul3A_182 = arith.mulf %sub3A_181, %convert_element_type3A_173 : vector<448x1xf32>
    %sub3A_183 = arith.subf %min3A_179, %floor3A_180 : vector<448x1xf32>
    %sub3A_184 = arith.constant 1.000000e+00 : f32
    %sub3A_185 = vector.broadcast %sub3A_184 : f32 to vector<448x1xf32>
    %sub3A_186 = arith.subf %sub3A_185, %sub3A_183 : vector<448x1xf32>
    %mul3A_187 = arith.mulf %sub3A_186, %convert_element_type3A_173 : vector<448x1xf32>
    %add3A_188 = arith.constant 1.000000e+00 : f32
    %add3A_189 = vector.broadcast %add3A_188 : f32 to vector<448x1xf32>
    %add3A_190 = arith.addf %floor3A_180, %add3A_189 : vector<448x1xf32>
    %min3A_191 = arith.constant 4.900000e+01 : f32
    %min3A_192 = vector.broadcast %min3A_191 : f32 to vector<448x1xf32>
    %min3A_193 = arith.minimumf %add3A_190, %min3A_192 : vector<448x1xf32>
    %iota3A_194 = tpu.iota {dimensions = array<i32: 1>} : vector<448x50xi32>
    %convert_element_type3A_195 = arith.sitofp %iota3A_194 : vector<448x50xi32> to vector<448x50xf32>
    %eq3A_196 = vector.broadcast %floor3A_180 : vector<448x1xf32> to vector<448x50xf32>
    %eq3A_197 = arith.cmpf oeq, %convert_element_type3A_195, %eq3A_196 : vector<448x50xf32>
    %jit3A_198 = arith.constant 0.000000e+00 : f32
    %broadcast_in_dim3A_199 = vector.shape_cast %mul3A_187 : vector<448x1xf32> to vector<448x1xf32>
    %broadcast_in_dim3A_200 = vector.broadcast %broadcast_in_dim3A_199 : vector<448x1xf32> to vector<448x50xf32>
    %broadcast_in_dim3A_201 = vector.broadcast %jit3A_198 : f32 to vector<448x50xf32>
    %select_n3A_202 = arith.select %eq3A_197, %broadcast_in_dim3A_200, %broadcast_in_dim3A_201 : vector<448x50xi1>, vector<448x50xf32>
    %eq3A_203 = vector.broadcast %min3A_193 : vector<448x1xf32> to vector<448x50xf32>
    %eq3A_204 = arith.cmpf oeq, %convert_element_type3A_195, %eq3A_203 : vector<448x50xf32>
    %jit3A_205 = arith.constant 0.000000e+00 : f32
    %broadcast_in_dim3A_206 = vector.shape_cast %mul3A_182 : vector<448x1xf32> to vector<448x1xf32>
    %broadcast_in_dim3A_207 = vector.broadcast %broadcast_in_dim3A_206 : vector<448x1xf32> to vector<448x50xf32>
    %broadcast_in_dim3A_208 = vector.broadcast %jit3A_205 : f32 to vector<448x50xf32>
    %select_n3A_209 = arith.select %eq3A_204, %broadcast_in_dim3A_207, %broadcast_in_dim3A_208 : vector<448x50xi1>, vector<448x50xf32>
    %add3A_210 = arith.addf %select_n3A_202, %select_n3A_209 : vector<448x50xf32>
    %iota3A_211 = tpu.iota {dimensions = array<i32: 1>} : vector<224x448xi32>
    %convert_element_type3A_212 = arith.sitofp %iota3A_211 : vector<224x448xi32> to vector<224x448xf32>
    %div3A_213 = arith.constant 2.000000e+00 : f32
    %div3A_214 = vector.broadcast %div3A_213 : f32 to vector<224x448xf32>
    %div3A_215 = arith.divf %convert_element_type3A_212, %div3A_214 : vector<224x448xf32>
    %floor3A_216 = math.floor %div3A_215 : vector<224x448xf32>
    %iota3A_217 = tpu.iota {dimensions = array<i32: 0>} : vector<224x448xi32>
    %convert_element_type3A_218 = arith.sitofp %iota3A_217 : vector<224x448xi32> to vector<224x448xf32>
    %eq3A_219 = arith.cmpf oeq, %floor3A_216, %convert_element_type3A_218 : vector<224x448xf32>
    %convert_element_type3A_220 = arith.extui %eq3A_219 : vector<224x448xi1> to vector<224x448xi32>
    %convert_element_type3A_221 = arith.sitofp %convert_element_type3A_220 : vector<224x448xi32> to vector<224x448xf32>
    %dot_general3A_222 = arith.constant dense<0.000000e+00> : vector<224x50xf32>
    %dot_general3A_223 = tpu.matmul %convert_element_type3A_221, %add3A_210, %dot_general3A_222 {dimension_numbers = #tpu.dot_dimension_numbers<[1], [0], [0], [1], [0, 0, 1, 1], [], []>, transpose_lhs_hint = false} : vector<224x448xf32>, vector<448x50xf32>, vector<224x50xf32> -> vector<224x50xf32>
    %mul3A_224 = arith.constant 5.000000e-01 : f32
    %mul3A_225 = vector.broadcast %mul3A_224 : f32 to vector<224x50xf32>
    %mul3A_226 = arith.mulf %mul3A_225, %dot_general3A_223 : vector<224x50xf32>
    %get3A_227 = arith.constant 0 : index
    %get3A_228 = arith.constant 0 : index
    %get3A_229 = arith.constant 0 : index
    %get3A_230 = vector.load %arg3[%get3A_227, %get3A_228, %get3A_229] : memref<1x50x12800xf32, #tpu.memory_space<vmem>>, vector<1x50x12800xf32>
    %get3A_231 = vector.shape_cast %get3A_230 : vector<1x50x12800xf32> to vector<50x12800xf32>
    %dot_general3A_232 = arith.constant dense<0.000000e+00> : vector<224x12800xf32>
    %dot_general3A_233 = tpu.matmul %mul3A_120, %get3A_231, %dot_general3A_232 {dimension_numbers = #tpu.dot_dimension_numbers<[1], [0], [0], [1], [0, 0, 1, 1], [], []>, transpose_lhs_hint = false} : vector<224x50xf32>, vector<50x12800xf32>, vector<224x12800xf32> -> vector<224x12800xf32>
    %reshape3A = vector.shape_cast %dot_general3A_233 : vector<224x12800xf32> to vector<32x7x50x256xf32>
    %reshape3A_234 = vector.shape_cast %mul3A_226 : vector<224x50xf32> to vector<32x7x50xf32>
    %dot_general3A_235 = arith.constant dense<0.000000e+00> : vector<32x7x7x256xf32>
    %dot_general3A_236 = tpu.matmul %reshape3A_234, %reshape3A, %dot_general3A_235 {dimension_numbers = #tpu.dot_dimension_numbers<[2], [2], [1], [1, 3], [0, 0, 0, 1, 1, 1, 1, 3], [0], [0]>, transpose_lhs_hint = false} : vector<32x7x50xf32>, vector<32x7x50x256xf32>, vector<32x7x7x256xf32> -> vector<32x7x7x256xf32>
    %reshape3A_237 = vector.shape_cast %dot_general3A_236 : vector<32x7x7x256xf32> to vector<32x12544xf32>
    %swap3A = arith.constant 0 : index
    %swap3A_238 = arith.constant 0 : index
    %swap3A_239 = arith.constant 0 : index
    %swap3A_240 = vector.load %arg4[%swap3A, %swap3A_238, %swap3A_239] : memref<1x32x12544xf32, #tpu.memory_space<vmem>>, vector<1x32x12544xf32>
    %swap3A_241 = vector.shape_cast %swap3A_240 : vector<1x32x12544xf32> to vector<32x12544xf32>
    %swap3A_242 = vector.shape_cast %reshape3A_237 : vector<32x12544xf32> to vector<1x32x12544xf32>
    tpu.vector_store %arg4[%swap3A, %swap3A_238, %swap3A_239], %swap3A_242 {strides = array<i32>} : memref<1x32x12544xf32, #tpu.memory_space<vmem>>, vector<1x32x12544xf32>,
    return
  }
  func.func @transform_0(%arg0: i32, %arg1: i32) -> (i32, i32, i32) {
    %c0_i32 = arith.constant 0 : i32
    %c0_i32_0 = arith.constant 0 : i32
    return %arg0, %arg1, %c0_i32 : i32, i32, i32
  }
  func.func @transform_1(%arg0: i32, %arg1: i32) -> (i32, i32, i32) {
    %c0_i32 = arith.constant 0 : i32
    %c0_i32_0 = arith.constant 0 : i32
    %c0_i32_1 = arith.constant 0 : i32
    return %arg0, %c0_i32, %c0_i32_0 : i32, i32, i32
  }
  func.func @transform_2(%arg0: i32, %arg1: i32) -> (i32, i32, i32) {
    %c0_i32 = arith.constant 0 : i32
    %c0_i32_0 = arith.constant 0 : i32
    return %arg0, %arg1, %c0_i32 : i32, i32, i32
  }
}

module attributes {stable_mosaic.version = 14 : i64} {
  func.func @_fc1_kernel(%arg0: i32, %arg1: memref<1024x896xf32, #tpu.memory_space<vmem>>, %arg2: memref<896x1024xf32, #tpu.memory_space<vmem>>, %arg3: memref<1x1024xf32, #tpu.memory_space<vmem>>, %arg4: memref<1024x1024xf32, #tpu.memory_space<vmem>>, %arg5: memref<1024x1024xf32, #tpu.memory_space<vmem>>) attributes {dimension_semantics = [#tpu.dimension_semantics<arbitrary>], iteration_bounds = array<i64: 14>, scalar_prefetch = 0 : i64, scratch_operands = 1 : i64, tpu.core_type = #tpu.core_type<tc>, window_params = [{transform_indices = @transform_0, window_bounds = array<i64: 1024, 896>}, {transform_indices = @transform_1, window_bounds = array<i64: 896, 1024>}, {pipeline_mode = #tpu.pipeline_mode<synchronous>, transform_indices = @transform_2, window_bounds = array<i64: 1, 1024>}, {pipeline_mode = #tpu.pipeline_mode<synchronous>, transform_indices = @transform_3, window_bounds = array<i64: 1024, 1024>}]} {
    %eq3A = arith.constant 0 : i32
    %eq3A_0 = arith.cmpi eq, %arg0, %eq3A : i32
    %convert_element_type3A = arith.extui %eq3A_0 : i1 to i32
    %cond3A = arith.constant 0 : i32
    %cond3A_1 = arith.cmpi ne, %convert_element_type3A, %cond3A : i32
    scf.if %cond3A_1 {
      %broadcast_in_dim3A = arith.constant 0.000000e+00 : f32
      %broadcast_in_dim3A_18 = vector.broadcast %broadcast_in_dim3A : f32 to vector<1024x1024xf32>
      %swap3A_19 = arith.constant 0 : index
      %swap3A_20 = arith.constant 0 : index
      %swap3A_21 = vector.load %arg5[%swap3A_19, %swap3A_20] : memref<1024x1024xf32, #tpu.memory_space<vmem>>, vector<1024x1024xf32>
      tpu.vector_store %arg5[%swap3A_19, %swap3A_20], %broadcast_in_dim3A_18 {strides = array<i32>} : memref<1024x1024xf32, #tpu.memory_space<vmem>>, vector<1024x1024xf32>,
    } else {
    }
    %get3A = arith.constant 0 : index
    %get3A_2 = arith.constant 0 : index
    %get3A_3 = vector.load %arg5[%get3A, %get3A_2] : memref<1024x1024xf32, #tpu.memory_space<vmem>>, vector<1024x1024xf32>
    %get3A_4 = arith.constant 0 : index
    %get3A_5 = arith.constant 0 : index
    %get3A_6 = vector.load %arg1[%get3A_4, %get3A_5] : memref<1024x896xf32, #tpu.memory_space<vmem>>, vector<1024x896xf32>
    %get3A_7 = arith.constant 0 : index
    %get3A_8 = arith.constant 0 : index
    %get3A_9 = vector.load %arg2[%get3A_7, %get3A_8] : memref<896x1024xf32, #tpu.memory_space<vmem>>, vector<896x1024xf32>
    %dot_general3A = arith.constant dense<0.000000e+00> : vector<1024x1024xf32>
    %dot_general3A_10 = tpu.matmul %get3A_6, %get3A_9, %dot_general3A {dimension_numbers = #tpu.dot_dimension_numbers<[1], [0], [0], [1], [0, 0, 1, 1], [], []>, transpose_lhs_hint = false} : vector<1024x896xf32>, vector<896x1024xf32>, vector<1024x1024xf32> -> vector<1024x1024xf32>
    %add3A = arith.addf %get3A_3, %dot_general3A_10 : vector<1024x1024xf32>
    %swap3A = arith.constant 0 : index
    %swap3A_11 = arith.constant 0 : index
    %swap3A_12 = vector.load %arg5[%swap3A, %swap3A_11] : memref<1024x1024xf32, #tpu.memory_space<vmem>>, vector<1024x1024xf32>
    tpu.vector_store %arg5[%swap3A, %swap3A_11], %add3A {strides = array<i32>} : memref<1024x1024xf32, #tpu.memory_space<vmem>>, vector<1024x1024xf32>,
    %eq3A_13 = arith.constant 13 : i32
    %eq3A_14 = arith.cmpi eq, %arg0, %eq3A_13 : i32
    %convert_element_type3A_15 = arith.extui %eq3A_14 : i1 to i32
    %cond3A_16 = arith.constant 0 : i32
    %cond3A_17 = arith.cmpi ne, %convert_element_type3A_15, %cond3A_16 : i32
    scf.if %cond3A_17 {
      %get3A_18 = arith.constant 0 : index
      %get3A_19 = arith.constant 0 : index
      %get3A_20 = vector.load %arg5[%get3A_18, %get3A_19] : memref<1024x1024xf32, #tpu.memory_space<vmem>>, vector<1024x1024xf32>
      %get3A_21 = arith.constant 0 : index
      %get3A_22 = arith.constant 0 : index
      %get3A_23 = vector.load %arg3[%get3A_21, %get3A_22] : memref<1x1024xf32, #tpu.memory_space<vmem>>, vector<1x1024xf32>
      %add3A_24 = vector.broadcast %get3A_23 : vector<1x1024xf32> to vector<1024x1024xf32>
      %add3A_25 = arith.addf %get3A_20, %add3A_24 : vector<1024x1024xf32>
      %max3A = arith.constant 0.000000e+00 : f32
      %max3A_26 = vector.broadcast %max3A : f32 to vector<1024x1024xf32>
      %max3A_27 = arith.maximumf %add3A_25, %max3A_26 : vector<1024x1024xf32>
      %swap3A_28 = arith.constant 0 : index
      %swap3A_29 = arith.constant 0 : index
      %swap3A_30 = vector.load %arg4[%swap3A_28, %swap3A_29] : memref<1024x1024xf32, #tpu.memory_space<vmem>>, vector<1024x1024xf32>
      tpu.vector_store %arg4[%swap3A_28, %swap3A_29], %max3A_27 {strides = array<i32>} : memref<1024x1024xf32, #tpu.memory_space<vmem>>, vector<1024x1024xf32>,
    } else {
    }
    return
  }
  func.func @transform_0(%arg0: i32) -> (i32, i32) {
    %c0_i32 = arith.constant 0 : i32
    %c0_i32_0 = arith.constant 0 : i32
    return %c0_i32, %arg0 : i32, i32
  }
  func.func @transform_1(%arg0: i32) -> (i32, i32) {
    %c0_i32 = arith.constant 0 : i32
    %c0_i32_0 = arith.constant 0 : i32
    return %arg0, %c0_i32 : i32, i32
  }
  func.func @transform_2(%arg0: i32) -> (i32, i32) {
    %c0_i32 = arith.constant 0 : i32
    %c0_i32_0 = arith.constant 0 : i32
    %c0_i32_1 = arith.constant 0 : i32
    return %c0_i32, %c0_i32_0 : i32, i32
  }
  func.func @transform_3(%arg0: i32) -> (i32, i32) {
    %c0_i32 = arith.constant 0 : i32
    %c0_i32_0 = arith.constant 0 : i32
    %c0_i32_1 = arith.constant 0 : i32
    return %c0_i32, %c0_i32_0 : i32, i32
  }
}

module attributes {stable_mosaic.version = 14 : i64} {
  func.func @_post_kernel(%arg0: i32, %arg1: memref<512x1024xf32, #tpu.memory_space<vmem>>, %arg2: memref<1024x1024xf32, #tpu.memory_space<vmem>>, %arg3: memref<1x1024xf32, #tpu.memory_space<vmem>>, %arg4: memref<1024x81xf32, #tpu.memory_space<vmem>>, %arg5: memref<1x81xf32, #tpu.memory_space<vmem>>, %arg6: memref<1024x324xf32, #tpu.memory_space<vmem>>, %arg7: memref<1x324xf32, #tpu.memory_space<vmem>>, %arg8: memref<1x512x4xf32, #tpu.memory_space<vmem>>, %arg9: memref<1x1x2xf32, #tpu.memory_space<vmem>>, %arg10: memref<1x100x4xf32, #tpu.memory_space<vmem>>, %arg11: memref<1x100x1xf32, #tpu.memory_space<vmem>>, %arg12: memref<1x100x1xi32, #tpu.memory_space<vmem>>) attributes {dimension_semantics = [#tpu.dimension_semantics<arbitrary>], iteration_bounds = array<i64: 2>, scalar_prefetch = 0 : i64, scratch_operands = 0 : i64, tpu.core_type = #tpu.core_type<tc>, window_params = [{transform_indices = @transform_0, window_bounds = array<i64: 512, 1024>}, {pipeline_mode = #tpu.pipeline_mode<synchronous>, transform_indices = @transform_1, window_bounds = array<i64: 1024, 1024>}, {pipeline_mode = #tpu.pipeline_mode<synchronous>, transform_indices = @transform_2, window_bounds = array<i64: 1, 1024>}, {pipeline_mode = #tpu.pipeline_mode<synchronous>, transform_indices = @transform_3, window_bounds = array<i64: 1024, 81>}, {pipeline_mode = #tpu.pipeline_mode<synchronous>, transform_indices = @transform_4, window_bounds = array<i64: 1, 81>}, {pipeline_mode = #tpu.pipeline_mode<synchronous>, transform_indices = @transform_5, window_bounds = array<i64: 1024, 324>}, {pipeline_mode = #tpu.pipeline_mode<synchronous>, transform_indices = @transform_6, window_bounds = array<i64: 1, 324>}, {transform_indices = @transform_7, window_bounds = array<i64: 1, 512, 4>}, {transform_indices = @transform_8, window_bounds = array<i64: 1, 1, 2>}, {transform_indices = @transform_9, window_bounds = array<i64: 1, 100, 4>}, {transform_indices = @transform_10, window_bounds = array<i64: 1, 100, 1>}, {transform_indices = @transform_11, window_bounds = array<i64: 1, 100, 1>}]} {
    %get3A = arith.constant 0 : index
    %get3A_0 = arith.constant 0 : index
    %get3A_1 = vector.load %arg1[%get3A, %get3A_0] : memref<512x1024xf32, #tpu.memory_space<vmem>>, vector<512x1024xf32>
    %get3A_2 = arith.constant 0 : index
    %get3A_3 = arith.constant 0 : index
    %get3A_4 = vector.load %arg2[%get3A_2, %get3A_3] : memref<1024x1024xf32, #tpu.memory_space<vmem>>, vector<1024x1024xf32>
    %dot_general3A = arith.constant dense<0.000000e+00> : vector<512x1024xf32>
    %dot_general3A_5 = tpu.matmul %get3A_1, %get3A_4, %dot_general3A {dimension_numbers = #tpu.dot_dimension_numbers<[1], [0], [0], [1], [0, 0, 1, 1], [], []>, transpose_lhs_hint = false} : vector<512x1024xf32>, vector<1024x1024xf32>, vector<512x1024xf32> -> vector<512x1024xf32>
    %get3A_6 = arith.constant 0 : index
    %get3A_7 = arith.constant 0 : index
    %get3A_8 = vector.load %arg3[%get3A_6, %get3A_7] : memref<1x1024xf32, #tpu.memory_space<vmem>>, vector<1x1024xf32>
    %add3A = vector.broadcast %get3A_8 : vector<1x1024xf32> to vector<512x1024xf32>
    %add3A_9 = arith.addf %dot_general3A_5, %add3A : vector<512x1024xf32>
    %max3A = arith.constant 0.000000e+00 : f32
    %max3A_10 = vector.broadcast %max3A : f32 to vector<512x1024xf32>
    %max3A_11 = arith.maximumf %add3A_9, %max3A_10 : vector<512x1024xf32>
    %get3A_12 = arith.constant 0 : index
    %get3A_13 = arith.constant 0 : index
    %get3A_14 = vector.load %arg4[%get3A_12, %get3A_13] : memref<1024x81xf32, #tpu.memory_space<vmem>>, vector<1024x81xf32>
    %dot_general3A_15 = arith.constant dense<0.000000e+00> : vector<512x81xf32>
    %dot_general3A_16 = tpu.matmul %max3A_11, %get3A_14, %dot_general3A_15 {dimension_numbers = #tpu.dot_dimension_numbers<[1], [0], [0], [1], [0, 0, 1, 1], [], []>, transpose_lhs_hint = false} : vector<512x1024xf32>, vector<1024x81xf32>, vector<512x81xf32> -> vector<512x81xf32>
    %get3A_17 = arith.constant 0 : index
    %get3A_18 = arith.constant 0 : index
    %get3A_19 = vector.load %arg5[%get3A_17, %get3A_18] : memref<1x81xf32, #tpu.memory_space<vmem>>, vector<1x81xf32>
    %add3A_20 = vector.broadcast %get3A_19 : vector<1x81xf32> to vector<512x81xf32>
    %add3A_21 = arith.addf %dot_general3A_16, %add3A_20 : vector<512x81xf32>
    %get3A_22 = arith.constant 0 : index
    %get3A_23 = arith.constant 0 : index
    %get3A_24 = vector.load %arg6[%get3A_22, %get3A_23] : memref<1024x324xf32, #tpu.memory_space<vmem>>, vector<1024x324xf32>
    %dot_general3A_25 = arith.constant dense<0.000000e+00> : vector<512x324xf32>
    %dot_general3A_26 = tpu.matmul %max3A_11, %get3A_24, %dot_general3A_25 {dimension_numbers = #tpu.dot_dimension_numbers<[1], [0], [0], [1], [0, 0, 1, 1], [], []>, transpose_lhs_hint = false} : vector<512x1024xf32>, vector<1024x324xf32>, vector<512x324xf32> -> vector<512x324xf32>
    %get3A_27 = arith.constant 0 : index
    %get3A_28 = arith.constant 0 : index
    %get3A_29 = vector.load %arg7[%get3A_27, %get3A_28] : memref<1x324xf32, #tpu.memory_space<vmem>>, vector<1x324xf32>
    %add3A_30 = vector.broadcast %get3A_29 : vector<1x324xf32> to vector<512x324xf32>
    %add3A_31 = arith.addf %dot_general3A_26, %add3A_30 : vector<512x324xf32>
    %reduce_max3A = arith.constant dense<0xFF800000> : vector<512xf32>
    %reduce_max3A_32 = vector.multi_reduction <maximumf>, %add3A_21, %reduce_max3A [1] : vector<512x81xf32> to vector<512xf32>
    %broadcast_in_dim3A = vector.shape_cast %reduce_max3A_32 : vector<512xf32> to vector<512x1xf32>
    %sub3A = vector.broadcast %broadcast_in_dim3A : vector<512x1xf32> to vector<512x81xf32>
    %sub3A_33 = arith.subf %add3A_21, %sub3A : vector<512x81xf32>
    %exp3A = math.exp %sub3A_33 : vector<512x81xf32>
    %reduce_sum3A = arith.constant dense<0.000000e+00> : vector<512xf32>
    %reduce_sum3A_34 = vector.multi_reduction <add>, %exp3A, %reduce_sum3A [1] : vector<512x81xf32> to vector<512xf32>
    %broadcast_in_dim3A_35 = vector.shape_cast %reduce_sum3A_34 : vector<512xf32> to vector<512x1xf32>
    %div3A = vector.broadcast %broadcast_in_dim3A_35 : vector<512x1xf32> to vector<512x81xf32>
    %div3A_36 = arith.divf %exp3A, %div3A : vector<512x81xf32>
    %slice3A = vector.extract_strided_slice %div3A_36 {offsets = [0, 1], sizes = [512, 80], strides = [1, 1]} : vector<512x81xf32> to vector<512x80xf32>
    %slice3A_37 = vector.extract_strided_slice %add3A_31 {offsets = [0, 1], sizes = [512, 80], strides = [1, 1]} : vector<512x324xf32> to vector<512x80xf32>
    %div3A_38 = arith.constant 1.000000e+01 : f32
    %div3A_39 = vector.broadcast %div3A_38 : f32 to vector<512x80xf32>
    %div3A_40 = arith.divf %slice3A_37, %div3A_39 : vector<512x80xf32>
    %slice3A_41 = vector.extract_strided_slice %add3A_31 {offsets = [0, 82], sizes = [512, 80], strides = [1, 1]} : vector<512x324xf32> to vector<512x80xf32>
    %div3A_42 = arith.constant 1.000000e+01 : f32
    %div3A_43 = vector.broadcast %div3A_42 : f32 to vector<512x80xf32>
    %div3A_44 = arith.divf %slice3A_41, %div3A_43 : vector<512x80xf32>
    %slice3A_45 = vector.extract_strided_slice %add3A_31 {offsets = [0, 163], sizes = [512, 80], strides = [1, 1]} : vector<512x324xf32> to vector<512x80xf32>
    %div3A_46 = arith.constant 5.000000e+00 : f32
    %div3A_47 = vector.broadcast %div3A_46 : f32 to vector<512x80xf32>
    %div3A_48 = arith.divf %slice3A_45, %div3A_47 : vector<512x80xf32>
    %min3A = arith.constant 4.13516665 : f32
    %min3A_49 = vector.broadcast %min3A : f32 to vector<512x80xf32>
    %min3A_50 = arith.minimumf %div3A_48, %min3A_49 : vector<512x80xf32>
    %slice3A_51 = vector.extract_strided_slice %add3A_31 {offsets = [0, 244], sizes = [512, 80], strides = [1, 1]} : vector<512x324xf32> to vector<512x80xf32>
    %div3A_52 = arith.constant 5.000000e+00 : f32
    %div3A_53 = vector.broadcast %div3A_52 : f32 to vector<512x80xf32>
    %div3A_54 = arith.divf %slice3A_51, %div3A_53 : vector<512x80xf32>
    %min3A_55 = arith.constant 4.13516665 : f32
    %min3A_56 = vector.broadcast %min3A_55 : f32 to vector<512x80xf32>
    %min3A_57 = arith.minimumf %div3A_54, %min3A_56 : vector<512x80xf32>
    %get3A_58 = arith.constant 0 : index
    %get3A_59 = arith.constant 0 : index
    %get3A_60 = arith.constant 0 : index
    %get3A_61 = vector.load %arg8[%get3A_58, %get3A_59, %get3A_60] : memref<1x512x4xf32, #tpu.memory_space<vmem>>, vector<1x512x4xf32>
    %get3A_62 = vector.shape_cast %get3A_61 : vector<1x512x4xf32> to vector<512x4xf32>
    %slice3A_63 = vector.extract_strided_slice %get3A_62 {offsets = [0, 0], sizes = [512, 1], strides = [1, 1]} : vector<512x4xf32> to vector<512x1xf32>
    %slice3A_64 = vector.extract_strided_slice %get3A_62 {offsets = [0, 1], sizes = [512, 1], strides = [1, 1]} : vector<512x4xf32> to vector<512x1xf32>
    %slice3A_65 = vector.extract_strided_slice %get3A_62 {offsets = [0, 2], sizes = [512, 1], strides = [1, 1]} : vector<512x4xf32> to vector<512x1xf32>
    %slice3A_66 = vector.extract_strided_slice %get3A_62 {offsets = [0, 3], sizes = [512, 1], strides = [1, 1]} : vector<512x4xf32> to vector<512x1xf32>
    %sub3A_67 = arith.subf %slice3A_65, %slice3A_63 : vector<512x1xf32>
    %sub3A_68 = arith.subf %slice3A_66, %slice3A_64 : vector<512x1xf32>
    %mul3A = arith.constant 5.000000e-01 : f32
    %mul3A_69 = vector.broadcast %mul3A : f32 to vector<512x1xf32>
    %mul3A_70 = arith.mulf %mul3A_69, %sub3A_67 : vector<512x1xf32>
    %add3A_71 = arith.addf %slice3A_63, %mul3A_70 : vector<512x1xf32>
    %mul3A_72 = arith.constant 5.000000e-01 : f32
    %mul3A_73 = vector.broadcast %mul3A_72 : f32 to vector<512x1xf32>
    %mul3A_74 = arith.mulf %mul3A_73, %sub3A_68 : vector<512x1xf32>
    %add3A_75 = arith.addf %slice3A_64, %mul3A_74 : vector<512x1xf32>
    %mul3A_76 = vector.broadcast %sub3A_67 : vector<512x1xf32> to vector<512x80xf32>
    %mul3A_77 = arith.mulf %div3A_40, %mul3A_76 : vector<512x80xf32>
    %add3A_78 = vector.broadcast %add3A_71 : vector<512x1xf32> to vector<512x80xf32>
    %add3A_79 = arith.addf %mul3A_77, %add3A_78 : vector<512x80xf32>
    %mul3A_80 = vector.broadcast %sub3A_68 : vector<512x1xf32> to vector<512x80xf32>
    %mul3A_81 = arith.mulf %div3A_44, %mul3A_80 : vector<512x80xf32>
    %add3A_82 = vector.broadcast %add3A_75 : vector<512x1xf32> to vector<512x80xf32>
    %add3A_83 = arith.addf %mul3A_81, %add3A_82 : vector<512x80xf32>
    %exp3A_84 = math.exp %min3A_50 : vector<512x80xf32>
    %mul3A_85 = vector.broadcast %sub3A_67 : vector<512x1xf32> to vector<512x80xf32>
    %mul3A_86 = arith.mulf %exp3A_84, %mul3A_85 : vector<512x80xf32>
    %exp3A_87 = math.exp %min3A_57 : vector<512x80xf32>
    %mul3A_88 = vector.broadcast %sub3A_68 : vector<512x1xf32> to vector<512x80xf32>
    %mul3A_89 = arith.mulf %exp3A_87, %mul3A_88 : vector<512x80xf32>
    %get3A_90 = arith.constant 0 : index
    %get3A_91 = arith.constant 0 : index
    %get3A_92 = arith.constant 0 : index
    %get3A_93 = vector.load %arg9[%get3A_90, %get3A_91, %get3A_92] : memref<1x1x2xf32, #tpu.memory_space<vmem>>, vector<1x1x2xf32>
    %get3A_94 = vector.shape_cast %get3A_93 : vector<1x1x2xf32> to vector<1x2xf32>
    %slice3A_95 = vector.extract_strided_slice %get3A_94 {offsets = [0, 0], sizes = [1, 1], strides = [1, 1]} : vector<1x2xf32> to vector<1x1xf32>
    %slice3A_96 = vector.extract_strided_slice %get3A_94 {offsets = [0, 1], sizes = [1, 1], strides = [1, 1]} : vector<1x2xf32> to vector<1x1xf32>
    %mul3A_97 = arith.constant 5.000000e-01 : f32
    %mul3A_98 = vector.broadcast %mul3A_97 : f32 to vector<512x80xf32>
    %mul3A_99 = arith.mulf %mul3A_98, %mul3A_86 : vector<512x80xf32>
    %sub3A_100 = arith.subf %add3A_79, %mul3A_99 : vector<512x80xf32>
    %jit3A = arith.constant 0.000000e+00 : f32
    %max3A_101 = vector.broadcast %jit3A : f32 to vector<512x80xf32>
    %max3A_102 = arith.maximumf %max3A_101, %sub3A_100 : vector<512x80xf32>
    %min3A_103 = vector.broadcast %slice3A_96 : vector<1x1xf32> to vector<512x80xf32>
    %min3A_104 = arith.minimumf %min3A_103, %max3A_102 : vector<512x80xf32>
    %mul3A_105 = arith.constant 5.000000e-01 : f32
    %mul3A_106 = vector.broadcast %mul3A_105 : f32 to vector<512x80xf32>
    %mul3A_107 = arith.mulf %mul3A_106, %mul3A_89 : vector<512x80xf32>
    %sub3A_108 = arith.subf %add3A_83, %mul3A_107 : vector<512x80xf32>
    %jit3A_109 = arith.constant 0.000000e+00 : f32
    %max3A_110 = vector.broadcast %jit3A_109 : f32 to vector<512x80xf32>
    %max3A_111 = arith.maximumf %max3A_110, %sub3A_108 : vector<512x80xf32>
    %min3A_112 = vector.broadcast %slice3A_95 : vector<1x1xf32> to vector<512x80xf32>
    %min3A_113 = arith.minimumf %min3A_112, %max3A_111 : vector<512x80xf32>
    %mul3A_114 = arith.constant 5.000000e-01 : f32
    %mul3A_115 = vector.broadcast %mul3A_114 : f32 to vector<512x80xf32>
    %mul3A_116 = arith.mulf %mul3A_115, %mul3A_86 : vector<512x80xf32>
    %add3A_117 = arith.addf %add3A_79, %mul3A_116 : vector<512x80xf32>
    %jit3A_118 = arith.constant 0.000000e+00 : f32
    %max3A_119 = vector.broadcast %jit3A_118 : f32 to vector<512x80xf32>
    %max3A_120 = arith.maximumf %max3A_119, %add3A_117 : vector<512x80xf32>
    %min3A_121 = vector.broadcast %slice3A_96 : vector<1x1xf32> to vector<512x80xf32>
    %min3A_122 = arith.minimumf %min3A_121, %max3A_120 : vector<512x80xf32>
    %mul3A_123 = arith.constant 5.000000e-01 : f32
    %mul3A_124 = vector.broadcast %mul3A_123 : f32 to vector<512x80xf32>
    %mul3A_125 = arith.mulf %mul3A_124, %mul3A_89 : vector<512x80xf32>
    %add3A_126 = arith.addf %add3A_83, %mul3A_125 : vector<512x80xf32>
    %jit3A_127 = arith.constant 0.000000e+00 : f32
    %max3A_128 = vector.broadcast %jit3A_127 : f32 to vector<512x80xf32>
    %max3A_129 = arith.maximumf %max3A_128, %add3A_126 : vector<512x80xf32>
    %min3A_130 = vector.broadcast %slice3A_95 : vector<1x1xf32> to vector<512x80xf32>
    %min3A_131 = arith.minimumf %min3A_130, %max3A_129 : vector<512x80xf32>
    %gt3A = arith.constant 5.000000e-02 : f32
    %gt3A_132 = vector.broadcast %gt3A : f32 to vector<512x80xf32>
    %gt3A_133 = arith.cmpf ogt, %slice3A, %gt3A_132 : vector<512x80xf32>
    %jit3A_134 = arith.constant -1.000000e+04 : f32
    %broadcast_in_dim3A_135 = vector.broadcast %jit3A_134 : f32 to vector<512x80xf32>
    %select_n3A = arith.select %gt3A_133, %slice3A, %broadcast_in_dim3A_135 : vector<512x80xi1>, vector<512x80xf32>
    %iota3A = tpu.iota {dimensions = array<i32: 1>} : vector<512x80xi32>
    %convert_element_type3A = arith.sitofp %iota3A : vector<512x80xi32> to vector<512x80xf32>
    %iota3A_136 = tpu.iota {dimensions = array<i32: 0>} : vector<512x80xi32>
    %convert_element_type3A_137 = arith.sitofp %iota3A_136 : vector<512x80xi32> to vector<512x80xf32>
    %mul3A_138 = arith.constant 8.000000e+01 : f32
    %mul3A_139 = vector.broadcast %mul3A_138 : f32 to vector<512x80xf32>
    %mul3A_140 = arith.mulf %convert_element_type3A_137, %mul3A_139 : vector<512x80xf32>
    %add3A_141 = arith.addf %mul3A_140, %convert_element_type3A : vector<512x80xf32>
    %add3A_142 = arith.constant 1.000000e+00 : f32
    %add3A_143 = vector.broadcast %add3A_142 : f32 to vector<512x80xf32>
    %add3A_144 = arith.addf %convert_element_type3A, %add3A_143 : vector<512x80xf32>
    %mul3A_145 = arith.constant 2.048000e+03 : f32
    %mul3A_146 = vector.broadcast %mul3A_145 : f32 to vector<512x80xf32>
    %mul3A_147 = arith.mulf %add3A_144, %mul3A_146 : vector<512x80xf32>
    %add3A_148 = arith.addf %min3A_104, %mul3A_147 : vector<512x80xf32>
    %add3A_149 = arith.addf %min3A_113, %mul3A_147 : vector<512x80xf32>
    %add3A_150 = arith.addf %min3A_122, %mul3A_147 : vector<512x80xf32>
    %add3A_151 = arith.addf %min3A_131, %mul3A_147 : vector<512x80xf32>
    %sub3A_152 = arith.subf %add3A_150, %add3A_148 : vector<512x80xf32>
    %sub3A_153 = arith.subf %add3A_151, %add3A_149 : vector<512x80xf32>
    %mul3A_154 = arith.mulf %sub3A_152, %sub3A_153 : vector<512x80xf32>
    %broadcast_in_dim3A_155 = arith.constant 0.000000e+00 : f32
    %broadcast_in_dim3A_156 = vector.broadcast %broadcast_in_dim3A_155 : f32 to vector<100x4xf32>
    %swap3A = arith.constant 0 : index
    %swap3A_157 = arith.constant 0 : index
    %swap3A_158 = arith.constant 0 : index
    %swap3A_159 = vector.load %arg10[%swap3A, %swap3A_157, %swap3A_158] : memref<1x100x4xf32, #tpu.memory_space<vmem>>, vector<1x100x4xf32>
    %swap3A_160 = vector.shape_cast %swap3A_159 : vector<1x100x4xf32> to vector<100x4xf32>
    %swap3A_161 = vector.shape_cast %broadcast_in_dim3A_156 : vector<100x4xf32> to vector<1x100x4xf32>
    tpu.vector_store %arg10[%swap3A, %swap3A_157, %swap3A_158], %swap3A_161 {strides = array<i32>} : memref<1x100x4xf32, #tpu.memory_space<vmem>>, vector<1x100x4xf32>,
    %broadcast_in_dim3A_162 = arith.constant 0.000000e+00 : f32
    %broadcast_in_dim3A_163 = vector.broadcast %broadcast_in_dim3A_162 : f32 to vector<100x1xf32>
    %swap3A_164 = arith.constant 0 : index
    %swap3A_165 = arith.constant 0 : index
    %swap3A_166 = arith.constant 0 : index
    %swap3A_167 = vector.load %arg11[%swap3A_164, %swap3A_165, %swap3A_166] : memref<1x100x1xf32, #tpu.memory_space<vmem>>, vector<1x100x1xf32>
    %swap3A_168 = vector.shape_cast %swap3A_167 : vector<1x100x1xf32> to vector<100x1xf32>
    %swap3A_169 = vector.shape_cast %broadcast_in_dim3A_163 : vector<100x1xf32> to vector<1x100x1xf32>
    tpu.vector_store %arg11[%swap3A_164, %swap3A_165, %swap3A_166], %swap3A_169 {strides = array<i32>} : memref<1x100x1xf32, #tpu.memory_space<vmem>>, vector<1x100x1xf32>,
    %broadcast_in_dim3A_170 = arith.constant 0 : i32
    %broadcast_in_dim3A_171 = vector.broadcast %broadcast_in_dim3A_170 : i32 to vector<100x1xi32>
    %swap3A_172 = arith.constant 0 : index
    %swap3A_173 = arith.constant 0 : index
    %swap3A_174 = arith.constant 0 : index
    %swap3A_175 = vector.load %arg12[%swap3A_172, %swap3A_173, %swap3A_174] : memref<1x100x1xi32, #tpu.memory_space<vmem>>, vector<1x100x1xi32>
    %swap3A_176 = vector.shape_cast %swap3A_175 : vector<1x100x1xi32> to vector<100x1xi32>
    %swap3A_177 = vector.shape_cast %broadcast_in_dim3A_171 : vector<100x1xi32> to vector<1x100x1xi32>
    tpu.vector_store %arg12[%swap3A_172, %swap3A_173, %swap3A_174], %swap3A_177 {strides = array<i32>} : memref<1x100x1xi32, #tpu.memory_space<vmem>>, vector<1x100x1xi32>,
    %reduce_max3A_178 = vector.shape_cast %select_n3A : vector<512x80xf32> to vector<1x512x80xf32>
    %reduce_max3A_179 = arith.constant dense<0xFF800000> : vector<1xf32>
    %reduce_max3A_180 = vector.multi_reduction <maximumf>, %reduce_max3A_178, %reduce_max3A_179 [1, 2] : vector<1x512x80xf32> to vector<1xf32>
    %reduce_max3A_181 = vector.shape_cast %reduce_max3A_180 : vector<1xf32> to vector<1x1x1xf32>
    %reduce_max3A_182 = vector.extract %reduce_max3A_181[0, 0, 0] : f32 from vector<1x1x1xf32>
    %while3A = arith.constant 0 : i32
    %while3A_183:3 = scf.while (%while3A_184 = %while3A, %while3A_185 = %select_n3A, %while3A_186 = %reduce_max3A_182) : (i32, vector<512x80xf32>, f32) -> (i32, vector<512x80xf32>, f32) {
      %lt3A = arith.constant 100 : i32
      %lt3A_187 = arith.cmpi slt, %while3A_184, %lt3A : i32
      %gt3A_188 = arith.constant 5.000000e-02 : f32
      %gt3A_189 = arith.cmpf ogt, %while3A_186, %gt3A_188 : f32
      %and3A = arith.andi %lt3A_187, %gt3A_189 : i1
      scf.condition(%and3A) %while3A_184, %while3A_185, %while3A_186 : i32, vector<512x80xf32>, f32
    } do {
    ^bb0(%while3A_184: i32, %while3A_185: vector<512x80xf32>, %while3A_186: f32):
      %eq3A = vector.broadcast %while3A_186 : f32 to vector<512x80xf32>
      %eq3A_187 = arith.cmpf oeq, %while3A_185, %eq3A : vector<512x80xf32>
      %jit3A_188 = arith.constant 1.000000e+09 : f32
      %broadcast_in_dim3A_189 = vector.broadcast %jit3A_188 : f32 to vector<512x80xf32>
      %select_n3A_190 = arith.select %eq3A_187, %add3A_141, %broadcast_in_dim3A_189 : vector<512x80xi1>, vector<512x80xf32>
      %reduce_min3A = vector.shape_cast %select_n3A_190 : vector<512x80xf32> to vector<1x512x80xf32>
      %reduce_min3A_191 = arith.constant dense<0x7F800000> : vector<1xf32>
      %reduce_min3A_192 = vector.multi_reduction <minimumf>, %reduce_min3A, %reduce_min3A_191 [1, 2] : vector<1x512x80xf32> to vector<1xf32>
      %reduce_min3A_193 = vector.shape_cast %reduce_min3A_192 : vector<1xf32> to vector<1x1x1xf32>
      %reduce_min3A_194 = vector.extract %reduce_min3A_193[0, 0, 0] : f32 from vector<1x1x1xf32>
      %eq3A_195 = vector.broadcast %reduce_min3A_194 : f32 to vector<512x80xf32>
      %eq3A_196 = arith.cmpf oeq, %add3A_141, %eq3A_195 : vector<512x80xf32>
      %jit3A_197 = arith.constant 0.000000e+00 : f32
      %broadcast_in_dim3A_198 = vector.broadcast %jit3A_197 : f32 to vector<512x80xf32>
      %select_n3A_199 = arith.select %eq3A_196, %min3A_104, %broadcast_in_dim3A_198 : vector<512x80xi1>, vector<512x80xf32>
      %reduce_sum3A_200 = vector.shape_cast %select_n3A_199 : vector<512x80xf32> to vector<1x512x80xf32>
      %reduce_sum3A_201 = arith.constant dense<0.000000e+00> : vector<1xf32>
      %reduce_sum3A_202 = vector.multi_reduction <add>, %reduce_sum3A_200, %reduce_sum3A_201 [1, 2] : vector<1x512x80xf32> to vector<1xf32>
      %reduce_sum3A_203 = vector.shape_cast %reduce_sum3A_202 : vector<1xf32> to vector<1x1x1xf32>
      %reduce_sum3A_204 = vector.extract %reduce_sum3A_203[0, 0, 0] : f32 from vector<1x1x1xf32>
      %jit3A_205 = arith.constant 0.000000e+00 : f32
      %broadcast_in_dim3A_206 = vector.broadcast %jit3A_205 : f32 to vector<512x80xf32>
      %select_n3A_207 = arith.select %eq3A_196, %min3A_113, %broadcast_in_dim3A_206 : vector<512x80xi1>, vector<512x80xf32>
      %reduce_sum3A_208 = vector.shape_cast %select_n3A_207 : vector<512x80xf32> to vector<1x512x80xf32>
      %reduce_sum3A_209 = arith.constant dense<0.000000e+00> : vector<1xf32>
      %reduce_sum3A_210 = vector.multi_reduction <add>, %reduce_sum3A_208, %reduce_sum3A_209 [1, 2] : vector<1x512x80xf32> to vector<1xf32>
      %reduce_sum3A_211 = vector.shape_cast %reduce_sum3A_210 : vector<1xf32> to vector<1x1x1xf32>
      %reduce_sum3A_212 = vector.extract %reduce_sum3A_211[0, 0, 0] : f32 from vector<1x1x1xf32>
      %jit3A_213 = arith.constant 0.000000e+00 : f32
      %broadcast_in_dim3A_214 = vector.broadcast %jit3A_213 : f32 to vector<512x80xf32>
      %select_n3A_215 = arith.select %eq3A_196, %min3A_122, %broadcast_in_dim3A_214 : vector<512x80xi1>, vector<512x80xf32>
      %reduce_sum3A_216 = vector.shape_cast %select_n3A_215 : vector<512x80xf32> to vector<1x512x80xf32>
      %reduce_sum3A_217 = arith.constant dense<0.000000e+00> : vector<1xf32>
      %reduce_sum3A_218 = vector.multi_reduction <add>, %reduce_sum3A_216, %reduce_sum3A_217 [1, 2] : vector<1x512x80xf32> to vector<1xf32>
      %reduce_sum3A_219 = vector.shape_cast %reduce_sum3A_218 : vector<1xf32> to vector<1x1x1xf32>
      %reduce_sum3A_220 = vector.extract %reduce_sum3A_219[0, 0, 0] : f32 from vector<1x1x1xf32>
      %jit3A_221 = arith.constant 0.000000e+00 : f32
      %broadcast_in_dim3A_222 = vector.broadcast %jit3A_221 : f32 to vector<512x80xf32>
      %select_n3A_223 = arith.select %eq3A_196, %min3A_131, %broadcast_in_dim3A_222 : vector<512x80xi1>, vector<512x80xf32>
      %reduce_sum3A_224 = vector.shape_cast %select_n3A_223 : vector<512x80xf32> to vector<1x512x80xf32>
      %reduce_sum3A_225 = arith.constant dense<0.000000e+00> : vector<1xf32>
      %reduce_sum3A_226 = vector.multi_reduction <add>, %reduce_sum3A_224, %reduce_sum3A_225 [1, 2] : vector<1x512x80xf32> to vector<1xf32>
      %reduce_sum3A_227 = vector.shape_cast %reduce_sum3A_226 : vector<1xf32> to vector<1x1x1xf32>
      %reduce_sum3A_228 = vector.extract %reduce_sum3A_227[0, 0, 0] : f32 from vector<1x1x1xf32>
      %div3A_229 = arith.constant 8.000000e+01 : f32
      %div3A_230 = arith.divf %reduce_min3A_194, %div3A_229 : f32
      %floor3A = math.floor %div3A_230 : f32
      %mul3A_231 = arith.constant 8.000000e+01 : f32
      %mul3A_232 = arith.mulf %floor3A, %mul3A_231 : f32
      %sub3A_233 = arith.subf %reduce_min3A_194, %mul3A_232 : f32
      %add3A_234 = arith.constant 1.000000e+00 : f32
      %add3A_235 = arith.addf %sub3A_233, %add3A_234 : f32
      %mul3A_236 = arith.constant 2.048000e+03 : f32
      %mul3A_237 = arith.mulf %add3A_235, %mul3A_236 : f32
      %add3A_238 = arith.addf %reduce_sum3A_204, %mul3A_237 : f32
      %add3A_239 = arith.addf %reduce_sum3A_212, %mul3A_237 : f32
      %add3A_240 = arith.addf %reduce_sum3A_220, %mul3A_237 : f32
      %add3A_241 = arith.addf %reduce_sum3A_228, %mul3A_237 : f32
      %max3A_242 = vector.broadcast %add3A_238 : f32 to vector<512x80xf32>
      %max3A_243 = arith.maximumf %max3A_242, %add3A_148 : vector<512x80xf32>
      %max3A_244 = vector.broadcast %add3A_239 : f32 to vector<512x80xf32>
      %max3A_245 = arith.maximumf %max3A_244, %add3A_149 : vector<512x80xf32>
      %min3A_246 = vector.broadcast %add3A_240 : f32 to vector<512x80xf32>
      %min3A_247 = arith.minimumf %min3A_246, %add3A_150 : vector<512x80xf32>
      %min3A_248 = vector.broadcast %add3A_241 : f32 to vector<512x80xf32>
      %min3A_249 = arith.minimumf %min3A_248, %add3A_151 : vector<512x80xf32>
      %sub3A_250 = arith.subf %min3A_247, %max3A_243 : vector<512x80xf32>
      %max3A_251 = arith.constant 0.000000e+00 : f32
      %max3A_252 = vector.broadcast %max3A_251 : f32 to vector<512x80xf32>
      %max3A_253 = arith.maximumf %sub3A_250, %max3A_252 : vector<512x80xf32>
      %sub3A_254 = arith.subf %min3A_249, %max3A_245 : vector<512x80xf32>
      %max3A_255 = arith.constant 0.000000e+00 : f32
      %max3A_256 = vector.broadcast %max3A_255 : f32 to vector<512x80xf32>
      %max3A_257 = arith.maximumf %sub3A_254, %max3A_256 : vector<512x80xf32>
      %mul3A_258 = arith.mulf %max3A_253, %max3A_257 : vector<512x80xf32>
      %sub3A_259 = arith.subf %add3A_240, %add3A_238 : f32
      %sub3A_260 = arith.subf %add3A_241, %add3A_239 : f32
      %mul3A_261 = arith.mulf %sub3A_259, %sub3A_260 : f32
      %add3A_262 = vector.broadcast %mul3A_261 : f32 to vector<512x80xf32>
      %add3A_263 = arith.addf %add3A_262, %mul3A_154 : vector<512x80xf32>
      %sub3A_264 = arith.subf %add3A_263, %mul3A_258 : vector<512x80xf32>
      %add3A_265 = arith.constant 9.99999971E-10 : f32
      %add3A_266 = vector.broadcast %add3A_265 : f32 to vector<512x80xf32>
      %add3A_267 = arith.addf %sub3A_264, %add3A_266 : vector<512x80xf32>
      %div3A_268 = arith.divf %mul3A_258, %add3A_267 : vector<512x80xf32>
      %gt3A_269 = arith.constant 5.000000e-01 : f32
      %gt3A_270 = vector.broadcast %gt3A_269 : f32 to vector<512x80xf32>
      %gt3A_271 = arith.cmpf ogt, %div3A_268, %gt3A_270 : vector<512x80xf32>
      %jit3A_272 = arith.constant -1.000000e+04 : f32
      %broadcast_in_dim3A_273 = vector.broadcast %jit3A_272 : f32 to vector<512x80xf32>
      %select_n3A_274 = arith.select %gt3A_271, %broadcast_in_dim3A_273, %while3A_185 : vector<512x80xi1>, vector<512x80xf32>
      %jit3A_275 = arith.constant -1.000000e+04 : f32
      %broadcast_in_dim3A_276 = vector.broadcast %jit3A_275 : f32 to vector<512x80xf32>
      %select_n3A_277 = arith.select %eq3A_196, %broadcast_in_dim3A_276, %select_n3A_274 : vector<512x80xi1>, vector<512x80xf32>
      %iota3A_278 = tpu.iota {dimensions = array<i32: 1>} : vector<1x4xi32>
      %convert_element_type3A_279 = arith.sitofp %iota3A_278 : vector<1x4xi32> to vector<1x4xf32>
      %eq3A_280 = arith.constant 0.000000e+00 : f32
      %eq3A_281 = vector.broadcast %eq3A_280 : f32 to vector<1x4xf32>
      %eq3A_282 = arith.cmpf oeq, %convert_element_type3A_279, %eq3A_281 : vector<1x4xf32>
      %eq3A_283 = arith.constant 1.000000e+00 : f32
      %eq3A_284 = vector.broadcast %eq3A_283 : f32 to vector<1x4xf32>
      %eq3A_285 = arith.cmpf oeq, %convert_element_type3A_279, %eq3A_284 : vector<1x4xf32>
      %eq3A_286 = arith.constant 2.000000e+00 : f32
      %eq3A_287 = vector.broadcast %eq3A_286 : f32 to vector<1x4xf32>
      %eq3A_288 = arith.cmpf oeq, %convert_element_type3A_279, %eq3A_287 : vector<1x4xf32>
      %broadcast_in_dim3A_289 = vector.broadcast %reduce_sum3A_220 : f32 to vector<1x4xf32>
      %broadcast_in_dim3A_290 = vector.broadcast %reduce_sum3A_228 : f32 to vector<1x4xf32>
      %select_n3A_291 = arith.select %eq3A_288, %broadcast_in_dim3A_289, %broadcast_in_dim3A_290 : vector<1x4xi1>, vector<1x4xf32>
      %broadcast_in_dim3A_292 = vector.broadcast %reduce_sum3A_212 : f32 to vector<1x4xf32>
      %select_n3A_293 = arith.select %eq3A_285, %broadcast_in_dim3A_292, %select_n3A_291 : vector<1x4xi1>, vector<1x4xf32>
      %broadcast_in_dim3A_294 = vector.broadcast %reduce_sum3A_204 : f32 to vector<1x4xf32>
      %select_n3A_295 = arith.select %eq3A_282, %broadcast_in_dim3A_294, %select_n3A_293 : vector<1x4xi1>, vector<1x4xf32>
      %swap3A_296 = arith.constant 0 : index
      %swap3A_297 = arith.index_cast %while3A_184 : i32 to index
      %swap3A_298 = arith.constant 0 : index
      %swap3A_299 = vector.load %arg10[%swap3A_296, %swap3A_297, %swap3A_298] : memref<1x100x4xf32, #tpu.memory_space<vmem>>, vector<1x1x4xf32>
      %swap3A_300 = vector.shape_cast %swap3A_299 : vector<1x1x4xf32> to vector<1x4xf32>
      %swap3A_301 = vector.shape_cast %select_n3A_295 : vector<1x4xf32> to vector<1x1x4xf32>
      tpu.vector_store %arg10[%swap3A_296, %swap3A_297, %swap3A_298], %swap3A_301 {strides = array<i32>} : memref<1x100x4xf32, #tpu.memory_space<vmem>>, vector<1x1x4xf32>,
      %broadcast_in_dim3A_302 = arith.constant 1.000000e+00 : f32
      %broadcast_in_dim3A_303 = vector.broadcast %broadcast_in_dim3A_302 : f32 to vector<1x1xf32>
      %mul3A_304 = vector.broadcast %while3A_186 : f32 to vector<1x1xf32>
      %mul3A_305 = arith.mulf %mul3A_304, %broadcast_in_dim3A_303 : vector<1x1xf32>
      %swap3A_306 = arith.constant 0 : index
      %swap3A_307 = arith.index_cast %while3A_184 : i32 to index
      %swap3A_308 = arith.constant 0 : index
      %swap3A_309 = vector.load %arg11[%swap3A_306, %swap3A_307, %swap3A_308] : memref<1x100x1xf32, #tpu.memory_space<vmem>>, vector<1x1x1xf32>
      %swap3A_310 = vector.shape_cast %swap3A_309 : vector<1x1x1xf32> to vector<1x1xf32>
      %swap3A_311 = vector.shape_cast %mul3A_305 : vector<1x1xf32> to vector<1x1x1xf32>
      tpu.vector_store %arg11[%swap3A_306, %swap3A_307, %swap3A_308], %swap3A_311 {strides = array<i32>} : memref<1x100x1xf32, #tpu.memory_space<vmem>>, vector<1x1x1xf32>,
      %convert_element_type3A_312 = arith.fptosi %add3A_235 : f32 to i32
      %broadcast_in_dim3A_313 = arith.constant 1 : i32
      %broadcast_in_dim3A_314 = vector.broadcast %broadcast_in_dim3A_313 : i32 to vector<1x1xi32>
      %mul3A_315 = vector.broadcast %convert_element_type3A_312 : i32 to vector<1x1xi32>
      %mul3A_316 = arith.muli %mul3A_315, %broadcast_in_dim3A_314 : vector<1x1xi32>
      %swap3A_317 = arith.constant 0 : index
      %swap3A_318 = arith.index_cast %while3A_184 : i32 to index
      %swap3A_319 = arith.constant 0 : index
      %swap3A_320 = vector.load %arg12[%swap3A_317, %swap3A_318, %swap3A_319] : memref<1x100x1xi32, #tpu.memory_space<vmem>>, vector<1x1x1xi32>
      %swap3A_321 = vector.shape_cast %swap3A_320 : vector<1x1x1xi32> to vector<1x1xi32>
      %swap3A_322 = vector.shape_cast %mul3A_316 : vector<1x1xi32> to vector<1x1x1xi32>
      tpu.vector_store %arg12[%swap3A_317, %swap3A_318, %swap3A_319], %swap3A_322 {strides = array<i32>} : memref<1x100x1xi32, #tpu.memory_space<vmem>>, vector<1x1x1xi32>,
      %add3A_323 = arith.constant 1 : i32
      %add3A_324 = arith.addi %while3A_184, %add3A_323 : i32
      %reduce_max3A_325 = vector.shape_cast %select_n3A_277 : vector<512x80xf32> to vector<1x512x80xf32>
      %reduce_max3A_326 = arith.constant dense<0xFF800000> : vector<1xf32>
      %reduce_max3A_327 = vector.multi_reduction <maximumf>, %reduce_max3A_325, %reduce_max3A_326 [1, 2] : vector<1x512x80xf32> to vector<1xf32>
      %reduce_max3A_328 = vector.shape_cast %reduce_max3A_327 : vector<1xf32> to vector<1x1x1xf32>
      %reduce_max3A_329 = vector.extract %reduce_max3A_328[0, 0, 0] : f32 from vector<1x1x1xf32>
      scf.yield %add3A_324, %select_n3A_277, %reduce_max3A_329 : i32, vector<512x80xf32>, f32
    }
    return
  }
  func.func @transform_0(%arg0: i32) -> (i32, i32) {
    %c0_i32 = arith.constant 0 : i32
    %c0_i32_0 = arith.constant 0 : i32
    return %arg0, %c0_i32 : i32, i32
  }
  func.func @transform_1(%arg0: i32) -> (i32, i32) {
    %c0_i32 = arith.constant 0 : i32
    %c0_i32_0 = arith.constant 0 : i32
    %c0_i32_1 = arith.constant 0 : i32
    return %c0_i32, %c0_i32_0 : i32, i32
  }
  func.func @transform_2(%arg0: i32) -> (i32, i32) {
    %c0_i32 = arith.constant 0 : i32
    %c0_i32_0 = arith.constant 0 : i32
    %c0_i32_1 = arith.constant 0 : i32
    return %c0_i32, %c0_i32_0 : i32, i32
  }
  func.func @transform_3(%arg0: i32) -> (i32, i32) {
    %c0_i32 = arith.constant 0 : i32
    %c0_i32_0 = arith.constant 0 : i32
    %c0_i32_1 = arith.constant 0 : i32
    return %c0_i32, %c0_i32_0 : i32, i32
  }
  func.func @transform_4(%arg0: i32) -> (i32, i32) {
    %c0_i32 = arith.constant 0 : i32
    %c0_i32_0 = arith.constant 0 : i32
    %c0_i32_1 = arith.constant 0 : i32
    return %c0_i32, %c0_i32_0 : i32, i32
  }
  func.func @transform_5(%arg0: i32) -> (i32, i32) {
    %c0_i32 = arith.constant 0 : i32
    %c0_i32_0 = arith.constant 0 : i32
    %c0_i32_1 = arith.constant 0 : i32
    return %c0_i32, %c0_i32_0 : i32, i32
  }
  func.func @transform_6(%arg0: i32) -> (i32, i32) {
    %c0_i32 = arith.constant 0 : i32
    %c0_i32_0 = arith.constant 0 : i32
    %c0_i32_1 = arith.constant 0 : i32
    return %c0_i32, %c0_i32_0 : i32, i32
  }
  func.func @transform_7(%arg0: i32) -> (i32, i32, i32) {
    %c0_i32 = arith.constant 0 : i32
    %c0_i32_0 = arith.constant 0 : i32
    %c0_i32_1 = arith.constant 0 : i32
    return %arg0, %c0_i32, %c0_i32_0 : i32, i32, i32
  }
  func.func @transform_8(%arg0: i32) -> (i32, i32, i32) {
    %c0_i32 = arith.constant 0 : i32
    %c0_i32_0 = arith.constant 0 : i32
    %c0_i32_1 = arith.constant 0 : i32
    return %arg0, %c0_i32, %c0_i32_0 : i32, i32, i32
  }
  func.func @transform_9(%arg0: i32) -> (i32, i32, i32) {
    %c0_i32 = arith.constant 0 : i32
    %c0_i32_0 = arith.constant 0 : i32
    %c0_i32_1 = arith.constant 0 : i32
    return %arg0, %c0_i32, %c0_i32_0 : i32, i32, i32
  }
  func.func @transform_10(%arg0: i32) -> (i32, i32, i32) {
    %c0_i32 = arith.constant 0 : i32
    %c0_i32_0 = arith.constant 0 : i32
    %c0_i32_1 = arith.constant 0 : i32
    return %arg0, %c0_i32, %c0_i32_0 : i32, i32, i32
  }
  func.func @transform_11(%arg0: i32) -> (i32, i32, i32) {
    %c0_i32 = arith.constant 0 : i32
    %c0_i32_0 = arith.constant 0 : i32
    %c0_i32_1 = arith.constant 0 : i32
    return %arg0, %c0_i32, %c0_i32_0 : i32, i32, i32
  }
}

</mosaic_0001>

<sc_bundles>
// kernel: sparse-core-data-format-call.cloned.1.call-start
scs
called_computation_lowered:
.L_overlay_start_0:
0x0: {  	s1 =	sld [smem:$0x3FD9]  }
0x1: {  	s2 =	sld [smem:$0x3FFE];
	_ =	sdelay $0x1  }
0x2: {  	s3 =	srdreg.scid  }
0x3: {  	s0 =	sand.u32 $0x1, s3  }
0x4: {  	s17 =	sshll.u32 s0, $0xA;
	s1 =	sadd.s32 s2, s1  }
0x5: {  	s1 =	sadd.s32 s1, s17  }
0x6: {  	[smem:$0x3FBD] =	sst s1  }
0x7: {  	_ = 	snop  }
0x8: {  	(tm) =	ssettm $0x1  }
0x9: {  	s18 =	sld [smem:$0x3FFB];
	_ =	sdelay $0x3  }
0xa: {  	_ =	strace s18  }
0xb: {  	s1 =	sld [smem:$0x3FFC];
	_ =	sdelay $0x3  }
0xc: {  	_ =	strace s1  }
0xd: {  	s1 =	sld [smem:$0x3FFD];
	_ =	sdelay $0x3  }
0xe: {  	_ =	strace s1  }
0xf: {  	_ =	strace $0x8FFFFFFF  }
0x10: {  	s19 =	sld [smem:$0x3FDB];
	_ =	sdelay $0x1  }
0x11: {  	s20 =	simm.s32 $_scs_section_size  }
0x12: {  	s4 =	simm.s32 $_size__tile_overlayer_lowered;
	s5 =	simm.s32 $_tile_overlayer_lowered  }
0x13: {  	s23 =	simm.s32 $0x1BFF;
	s22 =	sshll.u32 s5, $0x1;
	s1 =	sadd.s32 s20, s19  }
0x14: {  	s6 =	simm.s32 $0x0;
	s21 =	sshll.u32 s4, $0x1;
	s4 =	sadd.s32 s22, s1  }
0x15: {  	[timem:s6], [sflag:s23] =	dma.local [hbm:s4], s21  }
0x16: {  	_ =	swait.ge [sflag:s23], s21  }
0x17: {  	s2 =	ssub.s32 $0x0, s21;
	[sflag:s23] =	ssyncset.done $0x0  }
0x18: {  	[sflag:s23] =	ssyncadd.s32 s2;
	_ =	sdelay $0x1  }
0x19: {  	s24 =	simm.s32 $0x1B8B  }
0x1a: {  	_ =	swait.ge [sflag:s24], $0x1  }
0x1b: {  	[sflag:s24] =	ssyncset.done $0x0  }
0x1c: {  	s26 =	simm.s32 $0x1B8E;
	s25 =	sld [smem:$0x3FFE];
	[sflag:s24] =	ssyncadd.s32 $0xFFFFFFFF  }
0x1d: {  	s27 =	simm.s32 $execute0_lowered;
	[smem:$0x3FD2] =	sst s26  }
0x1e: {  	s4 =	sshll.u32 s27, $0x1;
	_ =	strace $0x80000046;
	[dreg:$0x1] =	wrdreg $0xFFFFFFFF  }
0x1f: {  	s28 =	simm.s32 $_size_execute0_lowered;
	s1 =	sadd.s32 s1, s4;
	[dreg:$0x0] =	wrdreg $0x0  }
0x20: {  	s4 =	sshll.u32 s28, $0x1;
	[dreg:$0x2] =	wrdreg s1  }
0x21: {  	[dreg:$0x3] =	wrdreg s4  }
0x22: {  	[dreg:$0x4] =	wrdreg $0xC0  }
0x23: {  	_ =	task [dreg:s6], $0x5FFFF  }
0x24: {  	[dreg:$0x1] =	wrdreg $0xFFFFFFFF  }
0x25: {  	[dreg:$0x0] =	wrdreg $0x60  }
0x26: {  	[dreg:$0x2] =	wrdreg s25  }
0x27: {  	[dreg:$0x3] =	wrdreg $0x9  }
0x28: {  	_ =	task.clear_ibuf [dreg:s6], $0x4FFFF;
	_ =	strace $0x90000046  }
0x29: {  	s29 =	simm.s32 $0x9;
	_ =	strace $0x80000048  }
0x2a: {  	_ =	swait.ge [sflag:s29], $0x1  }
0x2b: {  	[sflag:s29] =	ssyncadd.s32 $0xFFFFFFFF  }
0x2c: {  	_ =	strace $0x90000048  }
0x2d: {  	_ =	sfence  }
0x2e: {  	s30 =	sld [smem:$0x0];
	_ =	sdelay $0x2  }
0x2f: {  	s31 =	sshll.u32 s3, $0xD;
	s3 =	sshrl.u32 s3, $0x2  }
0x30: {  	s2 =	sand.u32 $0x4000, s31;
	s1 =	sadd.s32 s3, s30  }
0x31: {  	s0 =	sor.u32 s2, s0;
	s1 =	sshll.u32 s1, $0x11  }
0x32: {  	s0 =	sor.u32 s1, s0  }
0x33: {  	s0 =	sadd.s32 $0x8F2B, s0  }
0x34: {  	[sflag:s0] =	ssyncadd.remote.s32 $0x1  }
0x35: {  	_ =	sfence.sel $0xFFFF  }
0x36: {  	[dreg:$0x0] =	wrdreg $0xFFFFFFFF;
	(pc) =	sbr.abs _section_cstart, $3  }
0x37: {  	[dreg:$0x1] =	wrdreg $0xFFFFFFFF  }
0x38: {  	_ =	task.clear_ibuf [dreg:s6], $0x2FFFF;
	_ =	strace $0x9FFFFFFF  }
0x39: {  	(tm) =	ssettm $0x7FFFFFFF  }
tec
execute0_lowered:
.L_overlay_start_1:
0x0: {  	(tag) =	ssettag $0x1  }
0x1: {  	s0 =	stileid.u32  }
0x2: {  	s1 =	srdreg.scid;
	s8 =	rddreg [dreg:$0x0];
	s31 =	simm.s32 $0x2  }
0x3: {  	s17 =	simm.s32 $0x0;
	s10 =	simm.s32 $0x400;
	s11 =	simm.s32 $0x2000  }
0x4: {  	s2 =	sshll.u32 s0, $0x7;
	s3 =	sshll.u32 s0, $0x5;
	s4 =	sshll.u32 s1, $0x9  }
0x5: {  	s27 =	sshrl.u32 s0, $0x1;
	s1 =	sand.u32 $0x80, s2;
	s25 =	sor.u32 s3, s4  }
0x6: {  	s3 =	sand.u32 $0x1, s27;
	s26 =	ssub.s32 $0x100, s1;
	s2 =	sand.u32 $0x380, s25  }
0x7: {  	s30 =	ssub.s32 $0x4, s3;
	s5 =	sshrl.u32 s26, $0x7;
	s7 =	ssub.s32 $0x400, s2  }
0x8: {  	s6 =	sshrl.u32 s26, $0x8;
	s5 =	sand.u32 $0x1, s5;
	s29 =	sand.u32 $0x380, s7  }
0x9: {  	s28 =	sadd.s32 s6, s5;
	p0 =	sne.s32 s29, $0x0;
	s5 =	simm.s32 $0x1  }
0xa: {  	s7 =	sshrl.u32 s7, $0xA;
	s5 =	simm.s32 @!p0 $0x0;
	s6 =	smul.u32 s28, s30  }
0xb: {  	s12 =	simm.s32 $0x0;
	s18 =	simm.s32 $0x0;
	s5 =	sadd.s32 s5, s7  }
0xc: {  	s19 =	simm.s32 $0x0;
	s20 =	simm.s32 $0x0;
	s6 =	smul.u32 s5, s6  }
.Ltmp0:
0xd: {  	s13 =	simm.s32 $0x0;
	s16 =	simm.s32 $0x0;
	(pc) =	sbr.rel .LBB1_1-.Ltmp0, $4  }
0xe: {  	s4 =	rddreg [dreg:$0x1];
	_ =	strace $0x80000047;
	s14 =	smov.u32 s3  }
0xf: {  	s15 =	smov.u32 s1;
	s5 =	simm.s32 $0x1;
	s6 =	smul.u32 $0x7, s6  }
0x10: {  	s9 =	sadd.s32 s2, s8;
	s7 =	sadd.s32 $0x1600, s8;
	[sflag:s5] =	ssyncpa.u1 $0x0  }
0x11: {  	s8 =	sadd.s32 $0x189600, s9;
	[sflag:s31] =	ssyncpa.u1 $0x0;
	s9 =	sadd.s32 $0x1, s6  }
.LBB1_4:
0x12: {  	_ =	sdelay $0x3  }
0x13: {  	[tilespmem:v0+s23+$0xFFFFFFD0 ss:$0x1] =	vst.idx.msk $0xffff, v6  }
0x14: {  	v56 =	vld.idx.msk [tilespmem:v1+s22+$0x0 ss:$0x1], $0xffff;
	[tilespmem:v0+s23+$0xFFFFFFE0 ss:$0x1] =	vst.idx.msk $0xffff, v4  }
0x15: {  	v57 =	vld.idx.msk [tilespmem:v1+s22+$0xFFFFFF90 ss:$0x1], $0xffff;
	[tilespmem:v0+s23+$0xFFFFFFF0 ss:$0x1] =	vst.idx.msk $0xffff, v2  }
0x16: {  	v58 =	vld.idx.msk [tilespmem:v1+s22+$0xFFFFFFA0 ss:$0x1], $0xffff;
	[tilespmem:v0+s23+$0x0 ss:$0x1] =	vst.idx.msk $0xffff, v3  }
0x17: {  	v59 =	vld.idx.msk [tilespmem:v1+s22+$0xFFFFFFB0 ss:$0x1], $0xffff;
	[tilespmem:v0+s23+$0x10 ss:$0x1] =	vst.idx.msk $0xffff, v5  }
0x18: {  	v60 =	vld.idx.msk [tilespmem:v1+s22+$0xFFFFFFC0 ss:$0x1], $0xffff;
	[tilespmem:v0+s23+$0x20 ss:$0x1] =	vst.idx.msk $0xffff, v7  }
0x19: {  	v61 =	vld.idx.msk [tilespmem:v1+s22+$0xFFFFFFD0 ss:$0x1], $0xffff;
	[tilespmem:v0+s22+$0x30 ss:$0x1] =	vst.idx.msk $0xffff, v56  }
0x1a: {  	v62 =	vld.idx.msk [tilespmem:v1+s22+$0xFFFFFFE0 ss:$0x1], $0xffff;
	[tilespmem:v0+s22+$0xFFFFFFC0 ss:$0x1] =	vst.idx.msk $0xffff, v57  }
0x1b: {  	v63 =	vld.idx.msk [tilespmem:v1+s22+$0xFFFFFFF0 ss:$0x1], $0xffff;
	[tilespmem:v0+s22+$0xFFFFFFD0 ss:$0x1] =	vst.idx.msk $0xffff, v58  }
0x1c: {  	s30 =	sshll.u32 s20, $0x7;
	s19 =	sshll.u32 s19, $0xF;
	s31 =	sshll.u32 s20, $0x4;
	[tilespmem:v0+s22+$0xFFFFFFE0 ss:$0x1] =	vst.idx.msk $0xffff, v59  }
0x1d: {  	s18 =	smul.u32 $0x38000, s18;
	s20 =	sand.u32 $0x70, s31;
	s19 =	sadd.s32 s7, s19;
	[tilespmem:v0+s22+$0xFFFFFFF0 ss:$0x1] =	vst.idx.msk $0xffff, v60  }
0x1e: {  	s23 =	sand.u32 $0x7C00, s30;
	s19 =	sadd.s32 s20, s19;
	[tilespmem:v0+s22+$0x0 ss:$0x1] =	vst.idx.msk $0xffff, v61  }
0x1f: {  	s17 =	sor.u32 s17, s23;
	s18 =	sadd.s32 s18, s19;
	[tilespmem:v0+s22+$0x10 ss:$0x1] =	vst.idx.msk $0xffff, v62  }
0x20: {  	s17 =	sadd.s32 s17, s18;
	[tilespmem:v0+s22+$0x20 ss:$0x1] =	vst.idx.msk $0xffff, v63  }
0x21: {  	[hbm4b:s17+s10] =	stream.strided.scatter [tilespmem:s21], [sflag:$0x2], $0x4000, s11, s10, $0x38;
	[tilespmem:$0x10000] =	vst v63  }
.LBB1_5:
0x22: {  	s21 =	sadd.s32 $0x1, s13  }
0x23: {  	s17 =	sadd.s32 $0x2, s14;
	s22 =	smov.u32 s14;
	p1 =	sgt.s32 s21, $0x6  }
0x24: {  	s22 =	smov.u32 @p1 s17  }
0x25: {  	s18 =	sadd.s32 $0x100, s15;
	s23 =	smov.u32 s15;
	p2 =	sgt.s32 s22, $0x6  }
0x26: {  	s23 =	smov.u32 @p2 s18  }
0x27: {  	s21 =	simm.s32 @p1 $0x0;
	p1 =	sgt.s32 s23, $0xFF  }
0x28: {  	p0 =	slt.u32 s16, $0x2;
	s23 =	smov.u32 @p1 s1;
	p1 =	sne.s32 s16, s9  }
.Ltmp1:
0x29: {  	s19 =	smov.u32 s14;
	s17 =	simm.s32 @!p0 $0x2;
	(pc) =	sbr.rel @!p1 .LBB1_6-.Ltmp1, $4  }
0x2a: {  	s20 =	smov.u32 s15;
	s12 =	sadd.s32 $0x4000, s12;
	_ =	swait.ge @!p0 [sflag:s17], $0x4000  }
0x2b: {  	[sflag:s17] =	ssyncset.done @!p0 $0x0;
	s22 =	smov.u32 @p2 s3;
	s18 =	smov.u32 s13  }
0x2c: {  	s13 =	smov.u32 s21;
	[sflag:s17] =	ssyncadd.s32 @!p0 $0xFFFFC000;
	s17 =	smov.u32 s2  }
0x2d: {  	s14 =	smov.u32 s22;
	s16 =	sadd.s32 $0x1, s16;
	s15 =	smov.u32 s23  }
.LBB1_1:
0x2e: {  	p0 =	sge.u32 s16, s6  }
0x2f: {  	s22 =	smul.u32 @!p0 $0x1C00, s15  }
0x30: {  	s31 =	sadd.s32 $0xFFFFFFFF, s16;
	s21 =	sxor.u32 @!p0 $0xFFFFFFFF, s16;
	s23 =	sshll.u32 @!p0 s14, $0xA  }
0x31: {  	s24 =	sshll.u32 @!p0 s13, $0x4;
	s21 =	sshll.u32 @!p0 s21, $0xE;
	s22 =	sadd.s32 @!p0 s22, s8  }
0x32: {  	s24 =	sand.u32 @!p0 $0x70, s24;
	s21 =	sand.u32 @!p0 $0x4000, s21;
	s22 =	sadd.s32 @!p0 s23, s22  }
0x33: {  	s23 =	simm.s32 @!p0 $0x80;
	s22 =	sadd.s32 @!p0 s24, s22;
	s24 =	simm.s32 @!p0 $0xE000  }
0x34: {  	[tilespmem:s21], [sflag:$0x1] =	stream.strided.gather @!p0 [hbm4b:s22+s23], $0x4000, s24, s23, $0x38;
	[tilespmem:$0x10000] =	vst v63  }
0x35: {  	p0 =	sge.u32 s31, s6  }
.Ltmp2:
0x36: {  	_ = 	snop;
	(pc) =	sbr.rel @p0 .LBB1_5-.Ltmp2, $1  }
0x37: {  	_ =	sdelay $0x3  }
0x38: {  	s21 =	sand.u32 $0x4000, s12  }
0x39: {  	s22 =	sor.u32 $0x70, s21  }
0x3a: {  	v1 =	vmov s22;
	_ =	sdelay $0x1  }
0x3b: {  	_ =	swait.ge [sflag:s5], $0x4000  }
0x3c: {  	[sflag:s5] =	ssyncset.done $0x0  }
0x3d: {  	s23 =	simm.s32 $0x0;
	[sflag:s5] =	ssyncadd.s32 $0xFFFFC000  }
0x3e: {  	s21 =	sor.u32 $0x8040, s21;
	v7 =	vld.idx.msk [tilespmem:v1+s23+$0x0 ss:$0x1], $0xffff  }
0x3f: {  	v0 =	vmov s21;
	v8 =	vld.idx.msk [tilespmem:v1+s23+$0xFFFFFF90 ss:$0x1], $0xffff  }
0x40: {  	v6 =	vld.idx.msk [tilespmem:v1+s23+$0xFFFFFFA0 ss:$0x1], $0xffff  }
0x41: {  	v4 =	vld.idx.msk [tilespmem:v1+s23+$0xFFFFFFB0 ss:$0x1], $0xffff  }
0x42: {  	v2 =	vld.idx.msk [tilespmem:v1+s23+$0xFFFFFFC0 ss:$0x1], $0xffff  }
0x43: {  	s31 =	sshll.u32 s16, $0xE;
	v3 =	vld.idx.msk [tilespmem:v1+s23+$0xFFFFFFD0 ss:$0x1], $0xffff  }
0x44: {  	s21 =	sand.u32 $0x4000, s31;
	v5 =	vld.idx.msk [tilespmem:v1+s23+$0xFFFFFFE0 ss:$0x1], $0xffff;
	[tilespmem:v0+s23+$0x30 ss:$0x1] =	vst.idx.msk $0xffff, v7  }
0x45: {  	s24 =	simm.s32 $0x400;
	s22 =	simm.s32 $0x80;
	s21 =	sor.u32 $0x8000, s21;
	[tilespmem:v0+s23+$0xFFFFFFC0 ss:$0x1] =	vst.idx.msk $0xffff, v8;
	v7 =	vld.idx.msk [tilespmem:v1+s23+$0xFFFFFFF0 ss:$0x1], $0xffff  }
.LBB1_3:
0x46: {  	p0 =	sne.s32 s24, $0xFE00;
	v8 =	vld.idx.msk [tilespmem:v1+s22+$0x0 ss:$0x1], $0xffff;
	[tilespmem:v0+s23+$0xFFFFFFD0 ss:$0x1] =	vst.idx.msk $0xffff, v6  }
0x47: {  	v9 =	vld.idx.msk [tilespmem:v1+s22+$0xFFFFFF90 ss:$0x1], $0xffff;
	[tilespmem:v0+s23+$0xFFFFFFE0 ss:$0x1] =	vst.idx.msk $0xffff, v4  }
0x48: {  	v6 =	vld.idx.msk [tilespmem:v1+s22+$0xFFFFFFA0 ss:$0x1], $0xffff;
	[tilespmem:v0+s23+$0xFFFFFFF0 ss:$0x1] =	vst.idx.msk $0xffff, v2  }
.Ltmp3:
0x49: {  	v4 =	vld.idx.msk [tilespmem:v1+s22+$0xFFFFFFB0 ss:$0x1], $0xffff;
	[tilespmem:v0+s23+$0x0 ss:$0x1] =	vst.idx.msk $0xffff, v3;
	(pc) =	sbr.rel @p0 .LBB1_3-.Ltmp3, $4  }
0x4a: {  	v2 =	vld.idx.msk [tilespmem:v1+s22+$0xFFFFFFC0 ss:$0x1], $0xffff;
	[tilespmem:v0+s23+$0x10 ss:$0x1] =	vst.idx.msk $0xffff, v5  }
0x4b: {  	v3 =	vld.idx.msk [tilespmem:v1+s22+$0xFFFFFFD0 ss:$0x1], $0xffff;
	[tilespmem:v0+s23+$0x20 ss:$0x1] =	vst.idx.msk $0xffff, v7;
	s23 =	smov.u32 s22  }
0x4c: {  	v5 =	vld.idx.msk [tilespmem:v1+s23+$0xFFFFFFE0 ss:$0x1], $0xffff;
	[tilespmem:v0+s23+$0x30 ss:$0x1] =	vst.idx.msk $0xffff, v8  }
0x4d: {  	s22 =	sshra.s32 s24, $0x2;
	s24 =	sadd.s32 $0x200, s24;
	[tilespmem:v0+s23+$0xFFFFFFC0 ss:$0x1] =	vst.idx.msk $0xffff, v9;
	v7 =	vld.idx.msk [tilespmem:v1+s23+$0xFFFFFFF0 ss:$0x1], $0xffff  }
.Ltmp4:
0x4e: {  	_ = 	snop;
	(pc) =	sbr.rel .LBB1_4-.Ltmp4, $1  }
0x4f: {  	_ =	sdelay $0x3  }
.LBB1_6:
0x50: {  	_ =	sfence.sel $0x180000  }
0x51: {  	s1 =	simm.s32 $0x1;
	[bflag:$0x0] =	sbarrier.arrive $0xFFFF  }
0x52: {  	s31 =	simm.s32 $0x2;
	[sflag:s1] =	ssyncpa.u1 $0x1  }
0x53: {  	[sflag:s31] =	ssyncpa.u1 $0x1  }
0x54: {  	p0 =	sne.s32 s0, $0x0;
	_ =	strace $0x90000047  }
0x55: {  	s0 =	sadd.s32 @!p0 $0x100000, s4;
	[bflag:$0x2] =	sbarrier.arrive $0xFFFF  }
0x56: {  	[sflag:s0] =	ssyncadd.tile.s32 @!p0 $0x1;
	_ =	shalt  }
.Lfunc_end1:
_tile_overlayer_lowered:
.L_overlay_start_2:
0x57: {  	(tag) =	ssettag $0x2  }
0x58: {  	s0 =	rddreg [dreg:$0x0];
	s2 =	stileid.u32  }
0x59: {  	s1 =	rddreg [dreg:$0x1];
	p0 =	sne.s32 s2, $0x0  }
0x5a: {  	s3 =	rddreg [dreg:$0x2];
	[bflag:$0x3] =	sbarrier.arrive $0xFFFF;
	s2 =	simm.s32 @!p0 $0x1C01  }
0x5b: {  	[timem:s3], [sflag:s2] =	dma.local @!p0 [hbm:s0], s1  }
0x5c: {  	s0 =	simm.s32 @!p0 $0x1  }
0x5d: {  	_ =	swait.ge @!p0 [sflag:s0], s1  }
0x5e: {  	s1 =	ssub.s32 @!p0 $0x0, s1;
	[sflag:s0] =	ssyncset.done @!p0 $0x0  }
0x5f: {  	[sflag:s0] =	ssyncadd.s32 @!p0 s1  }
0x60: {  	[bflag:$0x3] =	sbarrier.arrive $0xFFFF  }
0x61: {  	_ =	shalt  }

</sc_bundles>
